<compile_context>
chip_gen: v7x
topology: tpu7x:2x2x1
jax: 0.10.2.dev20260603
libtpu: 0.0.44.dev20260713+nightly
codegen_flags: <defaults>
</compile_context>

<pallas_src>
import functools

import jax
import jax.numpy as jnp
from jax import lax
from jax.experimental import pallas as pl
from jax.experimental.pallas import tpu as pltpu
from jax.experimental.pallas import tpu_sc as plsc

D = 128
D_EDGE = 4
NC = 2
NS = 16
L = 16
NW = NC * NS
CHUNK = 64
AGG_PAD_ROWS = 10112


def _pack_bf16_halves(p):
    pr = p.astype(jnp.bfloat16).astype(jnp.float32)
    u = jax.lax.bitcast_convert_type(pr, jnp.uint32)
    lo = u[:, : D // 2] >> 16
    hi = u[:, D // 2:] & jnp.uint32(0xFFFF0000)
    return jax.lax.bitcast_convert_type(lo | hi, jnp.int32)


def _eproj_body(ea_ref, w_ref, o_ref):
    o_ref[...] = jnp.dot(ea_ref[...], w_ref[...],
                         preferred_element_type=jnp.float32)


def _proj_body(x_ref, w_ref, b1_ref, pt_ref):
    n = x_ref.shape[0]
    xv = x_ref[...]
    p = jnp.dot(xv, w_ref[...], preferred_element_type=jnp.float32)
    pt = jnp.concatenate(
        [_pack_bf16_halves(p[:, :D]),
         _pack_bf16_halves(p[:, D:] + b1_ref[...])], axis=1)
    pt_ref[pl.ds(0, n), :] = jax.lax.bitcast_convert_type(pt, jnp.float32)


def _final_body(x_ref, a0_ref, a1_ref, w2_ref, b2_ref, o_ref):
    xv = x_ref[...]
    a = a0_ref[...] + a1_ref[...]
    h = jnp.dot(xv, w2_ref[:D, :], preferred_element_type=jnp.float32)
    h = h + jnp.dot(a, w2_ref[D:, :], preferred_element_type=jnp.float32)
    h = h + b2_ref[...]
    o_ref[...] = jnp.maximum(h, 0.0) + xv


def _make_sc_edge(cpt: int, n_tab: int):
    mesh = plsc.VectorSubcoreMesh(core_axis_name="c", subcore_axis_name="s")

    @functools.partial(
        pl.kernel,
        mesh=mesh,
        compiler_params=pltpu.CompilerParams(needs_layout_passes=False),
        out_type=jax.ShapeDtypeStruct((NC, AGG_PAD_ROWS, D), jnp.float32),
        scratch_types=[
            pltpu.VMEM((2, 2 * CHUNK), jnp.int32),
            pltpu.VMEM((2, CHUNK), jnp.int32),
            pltpu.VMEM((2, CHUNK, D), jnp.float32),
            pltpu.VMEM((2, CHUNK, D), jnp.float32),
            pltpu.VMEM((2, CHUNK, D), jnp.float32),
            pltpu.VMEM_SHARED((AGG_PAD_ROWS, D), jnp.float32),
            pltpu.SemaphoreType.DMA,
            pltpu.SemaphoreType.DMA,
            pltpu.SemaphoreType.DMA,
            pltpu.SemaphoreType.DMA,
            pltpu.SemaphoreType.DMA,
            pltpu.SemaphoreType.DMA,
        ],
    )
    def sc_edge(sd_hbm, pt_hbm, eproj_hbm, zeros_hbm,
                out_hbm, sdbuf, didx_s, abuf, bbuf, ebuf, agg_sh,
                gsem0, gsem1, isem0, isem1, ssem0, ssem1):
        c = lax.axis_index("c")
        s = lax.axis_index("s")
        wid = c * NS + s
        gsems = (gsem0, gsem1)
        isems = (isem0, isem1)
        ssems = (ssem0, ssem1)
        zr = AGG_PAD_ROWS // NS
        pltpu.sync_copy(zeros_hbm.at[pl.ds(s * zr, zr)],
                        agg_sh.at[pl.ds(s * zr, zr)])

        def idx_issue(ch, b):
            pltpu.async_copy(sd_hbm.at[wid * cpt + ch], sdbuf.at[b],
                             isems[b])

        def idx_wait(b):
            pltpu.make_async_copy(sd_hbm.at[0], sdbuf.at[b],
                                  isems[b]).wait()

        def gather_issue(ch, b):
            ebase = (wid * cpt + ch) * CHUNK
            pltpu.async_copy(pt_hbm.at[sdbuf.at[b, pl.ds(0, CHUNK)]],
                             abuf.at[b], gsems[b])
            pltpu.async_copy(pt_hbm.at[sdbuf.at[b, pl.ds(CHUNK, CHUNK)]],
                             bbuf.at[b], gsems[b])
            pltpu.async_copy(eproj_hbm.at[pl.ds(ebase, CHUNK)],
                             ebuf.at[b], gsems[b])

        def gather_wait(b):
            pltpu.make_async_copy(pt_hbm.at[sdbuf.at[b, pl.ds(0, CHUNK)]],
                                  abuf.at[b], gsems[b]).wait()
            pltpu.make_async_copy(pt_hbm.at[sdbuf.at[b, pl.ds(CHUNK, CHUNK)]],
                                  bbuf.at[b], gsems[b]).wait()
            pltpu.make_async_copy(eproj_hbm.at[pl.ds(0, CHUNK)],
                                  ebuf.at[b], gsems[b]).wait()

        def scatter_wait(b):
            pltpu.make_async_copy(abuf.at[b], agg_sh.at[didx_s.at[b]],
                                  ssems[b]).wait()

        pltpu.sync_copy(sd_hbm.at[wid * cpt], sdbuf.at[0])
        idx_issue(1, 1)
        gather_issue(0, 0)

        def body(g, carry):
            for b in range(2):
                ch = 2 * g + b
                gather_wait(b)

                @pl.when(jnp.logical_and(ch >= 1, ch + 1 < cpt))
                def _():
                    scatter_wait(1 - b)

                @pl.when(ch + 1 < cpt)
                def _():
                    idx_wait(1 - b)
                    gather_issue(ch + 1, 1 - b)

                zero = jnp.zeros((L,), jnp.float32)

                def row_body(r, carry2):
                    for k in range(D // (2 * L)):
                        a = plsc.bitcast(
                            abuf[b, r, pl.ds(k * L, L)], jnp.bfloat16)
                        bb = plsc.bitcast(
                            bbuf[b, r, pl.ds(D // 2 + k * L, L)],
                            jnp.bfloat16)
                        s = a + bb
                        si = plsc.bitcast(s, jnp.int32)
                        lo = plsc.bitcast(si << 16, jnp.float32)
                        hi = plsc.bitcast(si & jnp.int32(-65536),
                                          jnp.float32)
                        lo = lo + ebuf[b, r, pl.ds(k * L, L)]
                        hi = hi + ebuf[b, r, pl.ds(D // 2 + k * L, L)]
                        abuf[b, r, pl.ds(k * L, L)] = jnp.maximum(lo, zero)
                        abuf[b, r, pl.ds(D // 2 + k * L, L)] = (
                            jnp.maximum(hi, zero))
                    return carry2

                lax.fori_loop(0, CHUNK, row_body, 0, unroll=2)
                for k in range(CHUNK // L):
                    didx_s[b, pl.ds(k * L, L)] = sdbuf[b, pl.ds(CHUNK + k * L, L)]
                pltpu.async_copy(abuf.at[b], agg_sh.at[didx_s.at[b]],
                                 ssems[b], add=True)

                @pl.when(ch + 2 < cpt)
                def _():
                    idx_issue(ch + 2, b)

            return carry

        lax.fori_loop(0, cpt // 2, body, 0)
        scatter_wait(0)
        scatter_wait(1)
        plsc.subcore_barrier()
        pltpu.sync_copy(agg_sh.at[pl.ds(s * zr, zr)],
                        out_hbm.at[c, pl.ds(s * zr, zr)])

    return sc_edge


def kernel(x, edge_index, edge_attr, W1, b1, W2, b2):
    n_nodes = x.shape[0]
    n_edges = edge_index.shape[1]

    cpt = -(-n_edges // (NW * CHUNK))
    cpt = cpt + (cpt % 2)
    e_pad = NW * cpt * CHUNK
    pad = e_pad - n_edges
    src = edge_index[0].astype(jnp.int32)
    dst = edge_index[1].astype(jnp.int32)
    src_p = jnp.concatenate([src, jnp.full((pad,), n_nodes, jnp.int32)])
    dst_p = jnp.concatenate([dst, jnp.full((pad,), n_nodes, jnp.int32)])
    sd = jnp.concatenate([src_p.reshape(-1, CHUNK),
                          dst_p.reshape(-1, CHUNK)], axis=1)
    zeros = jnp.zeros((AGG_PAD_ROWS, D), jnp.float32)

    n_tab = n_nodes + 8
    pt = pl.pallas_call(
        _proj_body,
        out_shape=jax.ShapeDtypeStruct((n_tab, D), jnp.float32),
    )(x, jnp.concatenate([W1[:D, :], W1[D:2 * D, :]], axis=1),
      b1.reshape(1, D))

    eblk = 4096
    n_eblk = e_pad // eblk
    last_in = (n_edges - 1) // eblk
    eproj = pl.pallas_call(
        _eproj_body,
        grid=(n_eblk,),
        in_specs=[
            pl.BlockSpec((eblk, D_EDGE),
                         lambda i: (jnp.minimum(i, last_in), 0)),
            pl.BlockSpec((D_EDGE, D), lambda i: (0, 0)),
        ],
        out_specs=pl.BlockSpec((eblk, D), lambda i: (i, 0)),
        out_shape=jax.ShapeDtypeStruct((e_pad, D), jnp.float32),
    )(edge_attr, W1[2 * D:, :])

    agg_parts = _make_sc_edge(cpt, n_tab)(sd, pt, eproj, zeros)

    nblk = 1000
    out = pl.pallas_call(
        _final_body,
        grid=(n_nodes // nblk,),
        in_specs=[
            pl.BlockSpec((nblk, D), lambda i: (i, 0)),
            pl.BlockSpec((nblk, D), lambda i: (i, 0)),
            pl.BlockSpec((nblk, D), lambda i: (i, 0)),
            pl.BlockSpec((2 * D, D), lambda i: (0, 0)),
            pl.BlockSpec((1, D), lambda i: (0, 0)),
        ],
        out_specs=pl.BlockSpec((nblk, D), lambda i: (i, 0)),
        out_shape=jax.ShapeDtypeStruct((n_nodes, D), jnp.float32),
    )(x, agg_parts[0, :n_nodes], agg_parts[1, :n_nodes],
      W2, b2.reshape(1, D))
    return out

# --- scband reference (transcript-rebuilt; emitter-appended) ---
"""Pipeline reference for scband-graph-msg-55198919688856 (READ-ONLY COPY).

The authoritative reference and input builder live on the scoring server;
editing this copy changes nothing except your own understanding.
"""

import jax, jax.numpy as jnp
import numpy as np

N_NODES = 10000
N_EDGES = 320000
D_FEAT = 128
D_EDGE = 4
D_HID = 128


def setup_inputs(seed: int = 0) -> dict:
    key = jax.random.key(seed)
    k = jax.random.split(key, 8)
    x = jax.random.normal(k[0], (N_NODES, D_FEAT), dtype=jnp.float32)
    edge_index = jax.random.randint(k[1], (2, N_EDGES), 0, N_NODES, dtype=jnp.int64)
    edge_attr = jax.random.normal(k[2], (N_EDGES, D_EDGE), dtype=jnp.float32)
    # edge MLP: concat(x_src, x_dst, edge_attr) -> hidden messages
    W1 = jax.random.normal(k[3], (2 * D_FEAT + D_EDGE, D_HID), dtype=jnp.float32) * (1.0 / np.sqrt(2 * D_FEAT + D_EDGE))
    b1 = jnp.zeros((D_HID,), dtype=jnp.float32)
    # node update MLP: concat(x, aggregated_messages) -> output
    W2 = jax.random.normal(k[4], (D_FEAT + D_HID, D_FEAT), dtype=jnp.float32) * (1.0 / np.sqrt(D_FEAT + D_HID))
    b2 = jnp.zeros((D_FEAT,), dtype=jnp.float32)
    return {"x": x, "edge_index": edge_index, "edge_attr": edge_attr,
            "W1": W1, "b1": b1, "W2": W2, "b2": b2}


def reference(x, edge_index, edge_attr, W1, b1, W2, b2):
    src = edge_index[0]
    dst = edge_index[1]
    # gather endpoint features per edge (SparseCore gather)
    x_src = jnp.take(x, src, axis=0)
    x_dst = jnp.take(x, dst, axis=0)
    m_in = jnp.concatenate([x_src, x_dst, edge_attr], axis=-1)
    msgs = jax.nn.relu(m_in @ W1 + b1)
    # scatter-add aggregation by destination node (SparseCore segment_sum)
    agg = jax.ops.segment_sum(msgs, dst, num_segments=x.shape[0])
    node_in = jnp.concatenate([x, agg], axis=-1)
    out = jax.nn.relu(node_in @ W2 + b2)
    # residual update on prognostic channels, as in GraphMSG output stage
    out = out + x
    return out

if __name__ == "__main__":
    import jax
    _d = setup_inputs()
    print(jax.jit(kernel)(*tuple(_d.values())))

</pallas_src>

<mosaic_0001>
#map = affine_map<(d0, d1) -> (0, 0)>
#map1 = affine_map<(d0, d1) -> (0, 0, 0)>
module attributes {stable_mosaic.version = 14 : i64} {
  func.func @sc_edge(%arg0: i32, %arg1: i32, %arg2: memref<5056x128xi32, #tpu.memory_space<hbm>>, %arg3: memref<10008x128xf32, #tpu.memory_space<hbm>>, %arg4: memref<323584x128xf32, #tpu.memory_space<hbm>>, %arg5: memref<10112x128xf32, #tpu.memory_space<hbm>>, %arg6: memref<2x10112x128xf32, #tpu.memory_space<hbm>>, %arg7: memref<2x128xi32, #tpu.memory_space<vmem>>, %arg8: memref<2x64xi32, #tpu.memory_space<vmem>>, %arg9: memref<2x64x128xf32, #tpu.memory_space<vmem>>, %arg10: memref<2x64x128xf32, #tpu.memory_space<vmem>>, %arg11: memref<2x64x128xf32, #tpu.memory_space<vmem>>, %arg12: memref<10112x128xf32, #tpu.memory_space<vmem_shared>>, %arg13: memref<!tpu.dma_semaphore, #tpu.memory_space<semaphore_mem>>, %arg14: memref<!tpu.dma_semaphore, #tpu.memory_space<semaphore_mem>>, %arg15: memref<!tpu.dma_semaphore, #tpu.memory_space<semaphore_mem>>, %arg16: memref<!tpu.dma_semaphore, #tpu.memory_space<semaphore_mem>>, %arg17: memref<!tpu.dma_semaphore, #tpu.memory_space<semaphore_mem>>, %arg18: memref<!tpu.dma_semaphore, #tpu.memory_space<semaphore_mem>>) attributes {dimension_semantics = [#tpu.dimension_semantics<core_parallel>, #tpu.dimension_semantics<subcore_parallel>], iteration_bounds = array<i64: 2, 16>, scalar_prefetch = 0 : i64, scratch_operands = 12 : i64, tpu.core_type = #tpu.core_type<sc_vector_subcore>, window_params = [{transform_indices = #map}, {transform_indices = #map}, {transform_indices = #map}, {transform_indices = #map}, {transform_indices = #map1}]} {
    %mul3A = arith.constant 16 : i32
    %mul3A_0 = arith.muli %arg0, %mul3A : i32
    %add3A = arith.addi %mul3A_0, %arg1 : i32
    %mul3A_1 = arith.constant 632 : i32
    %mul3A_2 = arith.muli %arg1, %mul3A_1 : i32
    %mul3A_3 = arith.constant 632 : i32
    %mul3A_4 = arith.muli %arg1, %mul3A_3 : i32
    "tpu.region"() ({
      %run_scoped3A_98 = tpu.sem_alloc : memref<!tpu.dma_semaphore, #tpu.memory_space<semaphore_mem>>
      %dma_start3A_99 = arith.constant 0 : i32
      %dma_start3A_100 = tpu.memref_slice %arg12[%mul3A_4, %dma_start3A_99] : memref<10112x128xf32, #tpu.memory_space<vmem_shared>> -> memref<632x128xf32, #tpu.memory_space<vmem_shared>>
      %dma_start3A_101 = arith.constant 0 : i32
      %dma_start3A_102 = tpu.memref_slice %arg5[%mul3A_2, %dma_start3A_101] : memref<10112x128xf32, #tpu.memory_space<hbm>> -> memref<632x128xf32, #tpu.memory_space<hbm>>
      tpu.enqueue_dma source(%dma_start3A_102 : memref<632x128xf32, #tpu.memory_space<hbm>>) target(%dma_start3A_100 : memref<632x128xf32, #tpu.memory_space<vmem_shared>>) target_semaphore(%run_scoped3A_98 : memref<!tpu.dma_semaphore, #tpu.memory_space<semaphore_mem>>)
      %dma_wait3A_103 = arith.constant 0 : i32
      %dma_wait3A_104 = tpu.memref_slice %arg12[%mul3A_4, %dma_wait3A_103] : memref<10112x128xf32, #tpu.memory_space<vmem_shared>> -> memref<632x128xf32, #tpu.memory_space<vmem_shared>>
      %dma_wait3A_105 = arith.constant 0 : i32
      %dma_wait3A_106 = tpu.memref_slice %arg5[%mul3A_2, %dma_wait3A_105] : memref<10112x128xf32, #tpu.memory_space<hbm>> -> memref<632x128xf32, #tpu.memory_space<hbm>>
      tpu.wait_dma2 semaphore(%run_scoped3A_98 : memref<!tpu.dma_semaphore, #tpu.memory_space<semaphore_mem>>) src(%dma_wait3A_106 : memref<632x128xf32, #tpu.memory_space<hbm>>) dst(%dma_wait3A_104 : memref<632x128xf32, #tpu.memory_space<vmem_shared>>)
      tpu.yield
    }) : () -> ()
    %mul3A_5 = arith.constant 158 : i32
    %mul3A_6 = arith.muli %add3A, %mul3A_5 : i32
    %run_scoped3A = arith.constant 0 : i32
    "tpu.region"() ({
      %run_scoped3A_98 = tpu.sem_alloc : memref<!tpu.dma_semaphore, #tpu.memory_space<semaphore_mem>>
      %dma_start3A_99 = arith.constant 0 : i32
      %dma_start3A_100 = tpu.memref_slice %arg7[%run_scoped3A, %dma_start3A_99] : memref<2x128xi32, #tpu.memory_space<vmem>> -> memref<1x128xi32, #tpu.memory_space<vmem>>
      %dma_start3A_101 = tpu.memref_squeeze %dma_start3A_100 : memref<1x128xi32, #tpu.memory_space<vmem>> -> memref<128xi32, #tpu.memory_space<vmem>>
      %dma_start3A_102 = arith.constant 0 : i32
      %dma_start3A_103 = tpu.memref_slice %arg2[%mul3A_6, %dma_start3A_102] : memref<5056x128xi32, #tpu.memory_space<hbm>> -> memref<1x128xi32, #tpu.memory_space<hbm>>
      %dma_start3A_104 = tpu.memref_squeeze %dma_start3A_103 : memref<1x128xi32, #tpu.memory_space<hbm>> -> memref<128xi32, #tpu.memory_space<hbm>>
      %dma_start3A_105 = arith.constant 0 : i32
      %dma_start3A_106 = tpu.memref_slice %arg7[%run_scoped3A, %dma_start3A_105] : memref<2x128xi32, #tpu.memory_space<vmem>> -> memref<1x128xi32, #tpu.memory_space<vmem>>
      %dma_start3A_107 = tpu.memref_squeeze %dma_start3A_106 : memref<1x128xi32, #tpu.memory_space<vmem>> -> memref<128xi32, #tpu.memory_space<vmem>>
      %dma_start3A_108 = arith.constant 0 : i32
      %dma_start3A_109 = tpu.memref_slice %arg2[%mul3A_6, %dma_start3A_108] : memref<5056x128xi32, #tpu.memory_space<hbm>> -> memref<1x128xi32, #tpu.memory_space<hbm>>
      %dma_start3A_110 = tpu.memref_squeeze %dma_start3A_109 : memref<1x128xi32, #tpu.memory_space<hbm>> -> memref<128xi32, #tpu.memory_space<hbm>>
      tpu.enqueue_dma source(%dma_start3A_110 : memref<128xi32, #tpu.memory_space<hbm>>) target(%dma_start3A_107 : memref<128xi32, #tpu.memory_space<vmem>>) target_semaphore(%run_scoped3A_98 : memref<!tpu.dma_semaphore, #tpu.memory_space<semaphore_mem>>)
      %dma_wait3A_111 = arith.constant 0 : i32
      %dma_wait3A_112 = tpu.memref_slice %arg7[%run_scoped3A, %dma_wait3A_111] : memref<2x128xi32, #tpu.memory_space<vmem>> -> memref<1x128xi32, #tpu.memory_space<vmem>>
      %dma_wait3A_113 = tpu.memref_squeeze %dma_wait3A_112 : memref<1x128xi32, #tpu.memory_space<vmem>> -> memref<128xi32, #tpu.memory_space<vmem>>
      %dma_wait3A_114 = arith.constant 0 : i32
      %dma_wait3A_115 = tpu.memref_slice %arg2[%mul3A_6, %dma_wait3A_114] : memref<5056x128xi32, #tpu.memory_space<hbm>> -> memref<1x128xi32, #tpu.memory_space<hbm>>
      %dma_wait3A_116 = tpu.memref_squeeze %dma_wait3A_115 : memref<1x128xi32, #tpu.memory_space<hbm>> -> memref<128xi32, #tpu.memory_space<hbm>>
      %dma_wait3A_117 = arith.constant 0 : i32
      %dma_wait3A_118 = tpu.memref_slice %arg7[%run_scoped3A, %dma_wait3A_117] : memref<2x128xi32, #tpu.memory_space<vmem>> -> memref<1x128xi32, #tpu.memory_space<vmem>>
      %dma_wait3A_119 = tpu.memref_squeeze %dma_wait3A_118 : memref<1x128xi32, #tpu.memory_space<vmem>> -> memref<128xi32, #tpu.memory_space<vmem>>
      %dma_wait3A_120 = arith.constant 0 : i32
      %dma_wait3A_121 = tpu.memref_slice %arg2[%mul3A_6, %dma_wait3A_120] : memref<5056x128xi32, #tpu.memory_space<hbm>> -> memref<1x128xi32, #tpu.memory_space<hbm>>
      %dma_wait3A_122 = tpu.memref_squeeze %dma_wait3A_121 : memref<1x128xi32, #tpu.memory_space<hbm>> -> memref<128xi32, #tpu.memory_space<hbm>>
      tpu.wait_dma2 semaphore(%run_scoped3A_98 : memref<!tpu.dma_semaphore, #tpu.memory_space<semaphore_mem>>) src(%dma_wait3A_122 : memref<128xi32, #tpu.memory_space<hbm>>) dst(%dma_wait3A_119 : memref<128xi32, #tpu.memory_space<vmem>>)
      tpu.yield
    }) : () -> ()
    %mul3A_7 = arith.constant 158 : i32
    %mul3A_8 = arith.muli %add3A, %mul3A_7 : i32
    %add3A_9 = arith.constant 1 : i32
    %add3A_10 = arith.addi %mul3A_8, %add3A_9 : i32
    %dma_start3A = arith.constant 1 : i32
    %dma_start3A_11 = arith.constant 0 : i32
    %dma_start3A_12 = tpu.memref_slice %arg7[%dma_start3A, %dma_start3A_11] : memref<2x128xi32, #tpu.memory_space<vmem>> -> memref<1x128xi32, #tpu.memory_space<vmem>>
    %dma_start3A_13 = tpu.memref_squeeze %dma_start3A_12 : memref<1x128xi32, #tpu.memory_space<vmem>> -> memref<128xi32, #tpu.memory_space<vmem>>
    %dma_start3A_14 = arith.constant 0 : i32
    %dma_start3A_15 = tpu.memref_slice %arg2[%add3A_10, %dma_start3A_14] : memref<5056x128xi32, #tpu.memory_space<hbm>> -> memref<1x128xi32, #tpu.memory_space<hbm>>
    %dma_start3A_16 = tpu.memref_squeeze %dma_start3A_15 : memref<1x128xi32, #tpu.memory_space<hbm>> -> memref<128xi32, #tpu.memory_space<hbm>>
    %dma_start3A_17 = arith.constant 0 : i32
    %dma_start3A_18 = tpu.memref_slice %arg7[%dma_start3A, %dma_start3A_17] : memref<2x128xi32, #tpu.memory_space<vmem>> -> memref<1x128xi32, #tpu.memory_space<vmem>>
    %dma_start3A_19 = tpu.memref_squeeze %dma_start3A_18 : memref<1x128xi32, #tpu.memory_space<vmem>> -> memref<128xi32, #tpu.memory_space<vmem>>
    %dma_start3A_20 = arith.constant 0 : i32
    %dma_start3A_21 = tpu.memref_slice %arg2[%add3A_10, %dma_start3A_20] : memref<5056x128xi32, #tpu.memory_space<hbm>> -> memref<1x128xi32, #tpu.memory_space<hbm>>
    %dma_start3A_22 = tpu.memref_squeeze %dma_start3A_21 : memref<1x128xi32, #tpu.memory_space<hbm>> -> memref<128xi32, #tpu.memory_space<hbm>>
    tpu.enqueue_dma source(%dma_start3A_22 : memref<128xi32, #tpu.memory_space<hbm>>) target(%dma_start3A_19 : memref<128xi32, #tpu.memory_space<vmem>>) target_semaphore(%arg16 : memref<!tpu.dma_semaphore, #tpu.memory_space<semaphore_mem>>)
    %mul3A_23 = arith.constant 158 : i32
    %mul3A_24 = arith.muli %add3A, %mul3A_23 : i32
    %add3A_25 = arith.constant 0 : i32
    %add3A_26 = arith.addi %mul3A_24, %add3A_25 : i32
    %mul3A_27 = arith.constant 64 : i32
    %mul3A_28 = arith.muli %add3A_26, %mul3A_27 : i32
    %dma_start3A_29 = arith.constant 0 : i32
    %dma_start3A_30 = arith.constant 0 : i32
    %dma_start3A_31 = arith.constant 0 : i32
    %dma_start3A_32 = arith.constant 0 : i32
    %dma_start3A_33 = tpu.memref_slice %arg9[%dma_start3A_30, %dma_start3A_31, %dma_start3A_32] : memref<2x64x128xf32, #tpu.memory_space<vmem>> -> memref<1x64x128xf32, #tpu.memory_space<vmem>>
    %dma_start3A_34 = tpu.memref_squeeze %dma_start3A_33 : memref<1x64x128xf32, #tpu.memory_space<vmem>> -> memref<64x128xf32, #tpu.memory_space<vmem>>
    %dma_start3A_35 = arith.constant 0 : i32
    %dma_start3A_36 = tpu.memref_slice %arg7[%dma_start3A_29, %dma_start3A_35] : memref<2x128xi32, #tpu.memory_space<vmem>> -> memref<1x64xi32, #tpu.memory_space<vmem>>
    %dma_start3A_37 = tpu.memref_squeeze %dma_start3A_36 : memref<1x64xi32, #tpu.memory_space<vmem>> -> memref<64xi32, #tpu.memory_space<vmem>>
    %dma_start3A_38 = arith.constant 0 : i32
    %dma_start3A_39 = arith.constant 0 : i32
    %dma_start3A_40 = tpu.memref_slice %arg3[%dma_start3A_38, %dma_start3A_39] : memref<10008x128xf32, #tpu.memory_space<hbm>> -> memref<10008x128xf32, #tpu.memory_space<hbm>>
    tpu.enqueue_indirect_dma source(%dma_start3A_40 : memref<10008x128xf32, #tpu.memory_space<hbm>>) target(%dma_start3A_34 : memref<64x128xf32, #tpu.memory_space<vmem>>) offsets(%dma_start3A_37 : memref<64xi32, #tpu.memory_space<vmem>>) semaphore(%arg13 : memref<!tpu.dma_semaphore, #tpu.memory_space<semaphore_mem>>)
    %dma_start3A_41 = arith.constant 0 : i32
    %dma_start3A_42 = arith.constant 0 : i32
    %dma_start3A_43 = arith.constant 0 : i32
    %dma_start3A_44 = arith.constant 0 : i32
    %dma_start3A_45 = tpu.memref_slice %arg10[%dma_start3A_42, %dma_start3A_43, %dma_start3A_44] : memref<2x64x128xf32, #tpu.memory_space<vmem>> -> memref<1x64x128xf32, #tpu.memory_space<vmem>>
    %dma_start3A_46 = tpu.memref_squeeze %dma_start3A_45 : memref<1x64x128xf32, #tpu.memory_space<vmem>> -> memref<64x128xf32, #tpu.memory_space<vmem>>
    %dma_start3A_47 = arith.constant 64 : i32
    %dma_start3A_48 = tpu.memref_slice %arg7[%dma_start3A_41, %dma_start3A_47] : memref<2x128xi32, #tpu.memory_space<vmem>> -> memref<1x64xi32, #tpu.memory_space<vmem>>
    %dma_start3A_49 = tpu.memref_squeeze %dma_start3A_48 : memref<1x64xi32, #tpu.memory_space<vmem>> -> memref<64xi32, #tpu.memory_space<vmem>>
    %dma_start3A_50 = arith.constant 0 : i32
    %dma_start3A_51 = arith.constant 0 : i32
    %dma_start3A_52 = tpu.memref_slice %arg3[%dma_start3A_50, %dma_start3A_51] : memref<10008x128xf32, #tpu.memory_space<hbm>> -> memref<10008x128xf32, #tpu.memory_space<hbm>>
    tpu.enqueue_indirect_dma source(%dma_start3A_52 : memref<10008x128xf32, #tpu.memory_space<hbm>>) target(%dma_start3A_46 : memref<64x128xf32, #tpu.memory_space<vmem>>) offsets(%dma_start3A_49 : memref<64xi32, #tpu.memory_space<vmem>>) semaphore(%arg13 : memref<!tpu.dma_semaphore, #tpu.memory_space<semaphore_mem>>)
    %dma_start3A_53 = arith.constant 0 : i32
    %dma_start3A_54 = arith.constant 0 : i32
    %dma_start3A_55 = arith.constant 0 : i32
    %dma_start3A_56 = tpu.memref_slice %arg11[%dma_start3A_53, %dma_start3A_54, %dma_start3A_55] : memref<2x64x128xf32, #tpu.memory_space<vmem>> -> memref<1x64x128xf32, #tpu.memory_space<vmem>>
    %dma_start3A_57 = tpu.memref_squeeze %dma_start3A_56 : memref<1x64x128xf32, #tpu.memory_space<vmem>> -> memref<64x128xf32, #tpu.memory_space<vmem>>
    %dma_start3A_58 = arith.constant 0 : i32
    %dma_start3A_59 = tpu.memref_slice %arg4[%mul3A_28, %dma_start3A_58] : memref<323584x128xf32, #tpu.memory_space<hbm>> -> memref<64x128xf32, #tpu.memory_space<hbm>>
    %dma_start3A_60 = arith.constant 0 : i32
    %dma_start3A_61 = arith.constant 0 : i32
    %dma_start3A_62 = tpu.memref_slice %arg11[%dma_start3A_53, %dma_start3A_60, %dma_start3A_61] : memref<2x64x128xf32, #tpu.memory_space<vmem>> -> memref<1x64x128xf32, #tpu.memory_space<vmem>>
    %dma_start3A_63 = tpu.memref_squeeze %dma_start3A_62 : memref<1x64x128xf32, #tpu.memory_space<vmem>> -> memref<64x128xf32, #tpu.memory_space<vmem>>
    %dma_start3A_64 = arith.constant 0 : i32
    %dma_start3A_65 = tpu.memref_slice %arg4[%mul3A_28, %dma_start3A_64] : memref<323584x128xf32, #tpu.memory_space<hbm>> -> memref<64x128xf32, #tpu.memory_space<hbm>>
    tpu.enqueue_dma source(%dma_start3A_65 : memref<64x128xf32, #tpu.memory_space<hbm>>) target(%dma_start3A_63 : memref<64x128xf32, #tpu.memory_space<vmem>>) target_semaphore(%arg13 : memref<!tpu.dma_semaphore, #tpu.memory_space<semaphore_mem>>)
    %scan3A = arith.constant 0 : i32
    %scan3A_66 = arith.constant 0 : i32
    %scan3A_67 = arith.constant 79 : i32
    %scan3A_68 = arith.addi %scan3A_66, %scan3A_67 : i32
    %scan3A_69 = arith.constant 1 : i32
    scf.for %scan3A_98 = %scan3A_66 to %scan3A_68 step %scan3A_69  : i32 {
      %mul3A_99 = arith.constant 2 : i32
      %mul3A_100 = arith.muli %mul3A_99, %scan3A_98 : i32
      %add3A_101 = arith.constant 0 : i32
      %add3A_102 = arith.addi %mul3A_100, %add3A_101 : i32
      %dma_wait3A_103 = arith.constant 0 : i32
      %dma_wait3A_104 = arith.constant 0 : i32
      %dma_wait3A_105 = arith.constant 0 : i32
      %dma_wait3A_106 = arith.constant 0 : i32
      %dma_wait3A_107 = tpu.memref_slice %arg9[%dma_wait3A_104, %dma_wait3A_105, %dma_wait3A_106] : memref<2x64x128xf32, #tpu.memory_space<vmem>> -> memref<1x64x128xf32, #tpu.memory_space<vmem>>
      %dma_wait3A_108 = tpu.memref_squeeze %dma_wait3A_107 : memref<1x64x128xf32, #tpu.memory_space<vmem>> -> memref<64x128xf32, #tpu.memory_space<vmem>>
      %dma_wait3A_109 = arith.constant 0 : i32
      %dma_wait3A_110 = tpu.memref_slice %arg7[%dma_wait3A_103, %dma_wait3A_109] : memref<2x128xi32, #tpu.memory_space<vmem>> -> memref<1x64xi32, #tpu.memory_space<vmem>>
      %dma_wait3A_111 = tpu.memref_squeeze %dma_wait3A_110 : memref<1x64xi32, #tpu.memory_space<vmem>> -> memref<64xi32, #tpu.memory_space<vmem>>
      %dma_wait3A_112 = arith.constant 0 : i32
      %dma_wait3A_113 = arith.constant 0 : i32
      %dma_wait3A_114 = tpu.memref_slice %arg3[%dma_wait3A_112, %dma_wait3A_113] : memref<10008x128xf32, #tpu.memory_space<hbm>> -> memref<10008x128xf32, #tpu.memory_space<hbm>>
      tpu.wait_indirect_dma semaphore(%arg13 : memref<!tpu.dma_semaphore, #tpu.memory_space<semaphore_mem>>) src(%dma_wait3A_114 : memref<10008x128xf32, #tpu.memory_space<hbm>>) dst(%dma_wait3A_108 : memref<64x128xf32, #tpu.memory_space<vmem>>)
      %dma_wait3A_115 = arith.constant 0 : i32
      %dma_wait3A_116 = arith.constant 0 : i32
      %dma_wait3A_117 = arith.constant 0 : i32
      %dma_wait3A_118 = arith.constant 0 : i32
      %dma_wait3A_119 = tpu.memref_slice %arg10[%dma_wait3A_116, %dma_wait3A_117, %dma_wait3A_118] : memref<2x64x128xf32, #tpu.memory_space<vmem>> -> memref<1x64x128xf32, #tpu.memory_space<vmem>>
      %dma_wait3A_120 = tpu.memref_squeeze %dma_wait3A_119 : memref<1x64x128xf32, #tpu.memory_space<vmem>> -> memref<64x128xf32, #tpu.memory_space<vmem>>
      %dma_wait3A_121 = arith.constant 64 : i32
      %dma_wait3A_122 = tpu.memref_slice %arg7[%dma_wait3A_115, %dma_wait3A_121] : memref<2x128xi32, #tpu.memory_space<vmem>> -> memref<1x64xi32, #tpu.memory_space<vmem>>
      %dma_wait3A_123 = tpu.memref_squeeze %dma_wait3A_122 : memref<1x64xi32, #tpu.memory_space<vmem>> -> memref<64xi32, #tpu.memory_space<vmem>>
      %dma_wait3A_124 = arith.constant 0 : i32
      %dma_wait3A_125 = arith.constant 0 : i32
      %dma_wait3A_126 = tpu.memref_slice %arg3[%dma_wait3A_124, %dma_wait3A_125] : memref<10008x128xf32, #tpu.memory_space<hbm>> -> memref<10008x128xf32, #tpu.memory_space<hbm>>
      tpu.wait_indirect_dma semaphore(%arg13 : memref<!tpu.dma_semaphore, #tpu.memory_space<semaphore_mem>>) src(%dma_wait3A_126 : memref<10008x128xf32, #tpu.memory_space<hbm>>) dst(%dma_wait3A_120 : memref<64x128xf32, #tpu.memory_space<vmem>>)
      %dma_wait3A_127 = arith.constant 0 : i32
      %dma_wait3A_128 = arith.constant 0 : i32
      %dma_wait3A_129 = arith.constant 0 : i32
      %dma_wait3A_130 = tpu.memref_slice %arg11[%dma_wait3A_127, %dma_wait3A_128, %dma_wait3A_129] : memref<2x64x128xf32, #tpu.memory_space<vmem>> -> memref<1x64x128xf32, #tpu.memory_space<vmem>>
      %dma_wait3A_131 = tpu.memref_squeeze %dma_wait3A_130 : memref<1x64x128xf32, #tpu.memory_space<vmem>> -> memref<64x128xf32, #tpu.memory_space<vmem>>
      %dma_wait3A_132 = arith.constant 0 : i32
      %dma_wait3A_133 = arith.constant 0 : i32
      %dma_wait3A_134 = tpu.memref_slice %arg4[%dma_wait3A_132, %dma_wait3A_133] : memref<323584x128xf32, #tpu.memory_space<hbm>> -> memref<64x128xf32, #tpu.memory_space<hbm>>
      %dma_wait3A_135 = arith.constant 0 : i32
      %dma_wait3A_136 = arith.constant 0 : i32
      %dma_wait3A_137 = tpu.memref_slice %arg11[%dma_wait3A_127, %dma_wait3A_135, %dma_wait3A_136] : memref<2x64x128xf32, #tpu.memory_space<vmem>> -> memref<1x64x128xf32, #tpu.memory_space<vmem>>
      %dma_wait3A_138 = tpu.memref_squeeze %dma_wait3A_137 : memref<1x64x128xf32, #tpu.memory_space<vmem>> -> memref<64x128xf32, #tpu.memory_space<vmem>>
      %dma_wait3A_139 = arith.constant 0 : i32
      %dma_wait3A_140 = arith.constant 0 : i32
      %dma_wait3A_141 = tpu.memref_slice %arg4[%dma_wait3A_139, %dma_wait3A_140] : memref<323584x128xf32, #tpu.memory_space<hbm>> -> memref<64x128xf32, #tpu.memory_space<hbm>>
      tpu.wait_dma2 semaphore(%arg13 : memref<!tpu.dma_semaphore, #tpu.memory_space<semaphore_mem>>) src(%dma_wait3A_141 : memref<64x128xf32, #tpu.memory_space<hbm>>) dst(%dma_wait3A_138 : memref<64x128xf32, #tpu.memory_space<vmem>>)
      %ge3A = arith.constant 1 : i32
      %ge3A_142 = arith.cmpi sge, %add3A_102, %ge3A : i32
      %add3A_143 = arith.constant 1 : i32
      %add3A_144 = arith.addi %add3A_102, %add3A_143 : i32
      %lt3A = arith.constant 158 : i32
      %lt3A_145 = arith.cmpi slt, %add3A_144, %lt3A : i32
      %and3A = arith.andi %ge3A_142, %lt3A_145 : i1
      %convert_element_type3A = arith.extui %and3A : i1 to i32
      %cond3A = arith.constant 0 : i32
      %cond3A_146 = arith.cmpi ne, %convert_element_type3A, %cond3A : i32
      scf.if %cond3A_146 {
        %dma_wait3A_329 = arith.constant 1 : i32
        %dma_wait3A_330 = arith.constant 1 : i32
        %dma_wait3A_331 = arith.constant 0 : i32
        %dma_wait3A_332 = arith.constant 0 : i32
        %dma_wait3A_333 = tpu.memref_slice %arg9[%dma_wait3A_329, %dma_wait3A_331, %dma_wait3A_332] : memref<2x64x128xf32, #tpu.memory_space<vmem>> -> memref<1x64x128xf32, #tpu.memory_space<vmem>>
        %dma_wait3A_334 = tpu.memref_squeeze %dma_wait3A_333 : memref<1x64x128xf32, #tpu.memory_space<vmem>> -> memref<64x128xf32, #tpu.memory_space<vmem>>
        %dma_wait3A_335 = arith.constant 0 : i32
        %dma_wait3A_336 = tpu.memref_slice %arg8[%dma_wait3A_330, %dma_wait3A_335] : memref<2x64xi32, #tpu.memory_space<vmem>> -> memref<1x64xi32, #tpu.memory_space<vmem>>
        %dma_wait3A_337 = tpu.memref_squeeze %dma_wait3A_336 : memref<1x64xi32, #tpu.memory_space<vmem>> -> memref<64xi32, #tpu.memory_space<vmem>>
        %dma_wait3A_338 = arith.constant 0 : i32
        %dma_wait3A_339 = arith.constant 0 : i32
        %dma_wait3A_340 = tpu.memref_slice %arg12[%dma_wait3A_338, %dma_wait3A_339] : memref<10112x128xf32, #tpu.memory_space<vmem_shared>> -> memref<10112x128xf32, #tpu.memory_space<vmem_shared>>
        tpu.wait_indirect_dma semaphore(%arg18 : memref<!tpu.dma_semaphore, #tpu.memory_space<semaphore_mem>>) src(%dma_wait3A_334 : memref<64x128xf32, #tpu.memory_space<vmem>>) dst(%dma_wait3A_340 : memref<10112x128xf32, #tpu.memory_space<vmem_shared>>)
      } else {
      }
      %add3A_147 = arith.constant 1 : i32
      %add3A_148 = arith.addi %add3A_102, %add3A_147 : i32
      %lt3A_149 = arith.constant 158 : i32
      %lt3A_150 = arith.cmpi slt, %add3A_148, %lt3A_149 : i32
      %convert_element_type3A_151 = arith.extui %lt3A_150 : i1 to i32
      %cond3A_152 = arith.constant 0 : i32
      %cond3A_153 = arith.cmpi ne, %convert_element_type3A_151, %cond3A_152 : i32
      scf.if %cond3A_153 {
        %dma_wait3A_329 = arith.constant 0 : i32
        %dma_wait3A_330 = arith.constant 1 : i32
        %dma_wait3A_331 = arith.constant 0 : i32
        %dma_wait3A_332 = tpu.memref_slice %arg7[%dma_wait3A_330, %dma_wait3A_331] : memref<2x128xi32, #tpu.memory_space<vmem>> -> memref<1x128xi32, #tpu.memory_space<vmem>>
        %dma_wait3A_333 = tpu.memref_squeeze %dma_wait3A_332 : memref<1x128xi32, #tpu.memory_space<vmem>> -> memref<128xi32, #tpu.memory_space<vmem>>
        %dma_wait3A_334 = arith.constant 0 : i32
        %dma_wait3A_335 = tpu.memref_slice %arg2[%dma_wait3A_329, %dma_wait3A_334] : memref<5056x128xi32, #tpu.memory_space<hbm>> -> memref<1x128xi32, #tpu.memory_space<hbm>>
        %dma_wait3A_336 = tpu.memref_squeeze %dma_wait3A_335 : memref<1x128xi32, #tpu.memory_space<hbm>> -> memref<128xi32, #tpu.memory_space<hbm>>
        %dma_wait3A_337 = arith.constant 0 : i32
        %dma_wait3A_338 = tpu.memref_slice %arg7[%dma_wait3A_330, %dma_wait3A_337] : memref<2x128xi32, #tpu.memory_space<vmem>> -> memref<1x128xi32, #tpu.memory_space<vmem>>
        %dma_wait3A_339 = tpu.memref_squeeze %dma_wait3A_338 : memref<1x128xi32, #tpu.memory_space<vmem>> -> memref<128xi32, #tpu.memory_space<vmem>>
        %dma_wait3A_340 = arith.constant 0 : i32
        %dma_wait3A_341 = tpu.memref_slice %arg2[%dma_wait3A_329, %dma_wait3A_340] : memref<5056x128xi32, #tpu.memory_space<hbm>> -> memref<1x128xi32, #tpu.memory_space<hbm>>
        %dma_wait3A_342 = tpu.memref_squeeze %dma_wait3A_341 : memref<1x128xi32, #tpu.memory_space<hbm>> -> memref<128xi32, #tpu.memory_space<hbm>>
        tpu.wait_dma2 semaphore(%arg16 : memref<!tpu.dma_semaphore, #tpu.memory_space<semaphore_mem>>) src(%dma_wait3A_342 : memref<128xi32, #tpu.memory_space<hbm>>) dst(%dma_wait3A_339 : memref<128xi32, #tpu.memory_space<vmem>>)
        %add3A_343 = arith.constant 1 : i32
        %add3A_344 = arith.addi %add3A_102, %add3A_343 : i32
        %mul3A_345 = arith.constant 158 : i32
        %mul3A_346 = arith.muli %add3A, %mul3A_345 : i32
        %add3A_347 = arith.addi %mul3A_346, %add3A_344 : i32
        %mul3A_348 = arith.constant 64 : i32
        %mul3A_349 = arith.muli %add3A_347, %mul3A_348 : i32
        %dma_start3A_350 = arith.constant 1 : i32
        %dma_start3A_351 = arith.constant 1 : i32
        %dma_start3A_352 = arith.constant 0 : i32
        %dma_start3A_353 = arith.constant 0 : i32
        %dma_start3A_354 = tpu.memref_slice %arg9[%dma_start3A_351, %dma_start3A_352, %dma_start3A_353] : memref<2x64x128xf32, #tpu.memory_space<vmem>> -> memref<1x64x128xf32, #tpu.memory_space<vmem>>
        %dma_start3A_355 = tpu.memref_squeeze %dma_start3A_354 : memref<1x64x128xf32, #tpu.memory_space<vmem>> -> memref<64x128xf32, #tpu.memory_space<vmem>>
        %dma_start3A_356 = arith.constant 0 : i32
        %dma_start3A_357 = tpu.memref_slice %arg7[%dma_start3A_350, %dma_start3A_356] : memref<2x128xi32, #tpu.memory_space<vmem>> -> memref<1x64xi32, #tpu.memory_space<vmem>>
        %dma_start3A_358 = tpu.memref_squeeze %dma_start3A_357 : memref<1x64xi32, #tpu.memory_space<vmem>> -> memref<64xi32, #tpu.memory_space<vmem>>
        %dma_start3A_359 = arith.constant 0 : i32
        %dma_start3A_360 = arith.constant 0 : i32
        %dma_start3A_361 = tpu.memref_slice %arg3[%dma_start3A_359, %dma_start3A_360] : memref<10008x128xf32, #tpu.memory_space<hbm>> -> memref<10008x128xf32, #tpu.memory_space<hbm>>
        tpu.enqueue_indirect_dma source(%dma_start3A_361 : memref<10008x128xf32, #tpu.memory_space<hbm>>) target(%dma_start3A_355 : memref<64x128xf32, #tpu.memory_space<vmem>>) offsets(%dma_start3A_358 : memref<64xi32, #tpu.memory_space<vmem>>) semaphore(%arg14 : memref<!tpu.dma_semaphore, #tpu.memory_space<semaphore_mem>>)
        %dma_start3A_362 = arith.constant 1 : i32
        %dma_start3A_363 = arith.constant 1 : i32
        %dma_start3A_364 = arith.constant 0 : i32
        %dma_start3A_365 = arith.constant 0 : i32
        %dma_start3A_366 = tpu.memref_slice %arg10[%dma_start3A_363, %dma_start3A_364, %dma_start3A_365] : memref<2x64x128xf32, #tpu.memory_space<vmem>> -> memref<1x64x128xf32, #tpu.memory_space<vmem>>
        %dma_start3A_367 = tpu.memref_squeeze %dma_start3A_366 : memref<1x64x128xf32, #tpu.memory_space<vmem>> -> memref<64x128xf32, #tpu.memory_space<vmem>>
        %dma_start3A_368 = arith.constant 64 : i32
        %dma_start3A_369 = tpu.memref_slice %arg7[%dma_start3A_362, %dma_start3A_368] : memref<2x128xi32, #tpu.memory_space<vmem>> -> memref<1x64xi32, #tpu.memory_space<vmem>>
        %dma_start3A_370 = tpu.memref_squeeze %dma_start3A_369 : memref<1x64xi32, #tpu.memory_space<vmem>> -> memref<64xi32, #tpu.memory_space<vmem>>
        %dma_start3A_371 = arith.constant 0 : i32
        %dma_start3A_372 = arith.constant 0 : i32
        %dma_start3A_373 = tpu.memref_slice %arg3[%dma_start3A_371, %dma_start3A_372] : memref<10008x128xf32, #tpu.memory_space<hbm>> -> memref<10008x128xf32, #tpu.memory_space<hbm>>
        tpu.enqueue_indirect_dma source(%dma_start3A_373 : memref<10008x128xf32, #tpu.memory_space<hbm>>) target(%dma_start3A_367 : memref<64x128xf32, #tpu.memory_space<vmem>>) offsets(%dma_start3A_370 : memref<64xi32, #tpu.memory_space<vmem>>) semaphore(%arg14 : memref<!tpu.dma_semaphore, #tpu.memory_space<semaphore_mem>>)
        %dma_start3A_374 = arith.constant 1 : i32
        %dma_start3A_375 = arith.constant 0 : i32
        %dma_start3A_376 = arith.constant 0 : i32
        %dma_start3A_377 = tpu.memref_slice %arg11[%dma_start3A_374, %dma_start3A_375, %dma_start3A_376] : memref<2x64x128xf32, #tpu.memory_space<vmem>> -> memref<1x64x128xf32, #tpu.memory_space<vmem>>
        %dma_start3A_378 = tpu.memref_squeeze %dma_start3A_377 : memref<1x64x128xf32, #tpu.memory_space<vmem>> -> memref<64x128xf32, #tpu.memory_space<vmem>>
        %dma_start3A_379 = arith.constant 0 : i32
        %dma_start3A_380 = tpu.memref_slice %arg4[%mul3A_349, %dma_start3A_379] : memref<323584x128xf32, #tpu.memory_space<hbm>> -> memref<64x128xf32, #tpu.memory_space<hbm>>
        %dma_start3A_381 = arith.constant 0 : i32
        %dma_start3A_382 = arith.constant 0 : i32
        %dma_start3A_383 = tpu.memref_slice %arg11[%dma_start3A_374, %dma_start3A_381, %dma_start3A_382] : memref<2x64x128xf32, #tpu.memory_space<vmem>> -> memref<1x64x128xf32, #tpu.memory_space<vmem>>
        %dma_start3A_384 = tpu.memref_squeeze %dma_start3A_383 : memref<1x64x128xf32, #tpu.memory_space<vmem>> -> memref<64x128xf32, #tpu.memory_space<vmem>>
        %dma_start3A_385 = arith.constant 0 : i32
        %dma_start3A_386 = tpu.memref_slice %arg4[%mul3A_349, %dma_start3A_385] : memref<323584x128xf32, #tpu.memory_space<hbm>> -> memref<64x128xf32, #tpu.memory_space<hbm>>
        tpu.enqueue_dma source(%dma_start3A_386 : memref<64x128xf32, #tpu.memory_space<hbm>>) target(%dma_start3A_384 : memref<64x128xf32, #tpu.memory_space<vmem>>) target_semaphore(%arg14 : memref<!tpu.dma_semaphore, #tpu.memory_space<semaphore_mem>>)
      } else {
      }
      %broadcast_in_dim3A = arith.constant 0.000000e+00 : f32
      %broadcast_in_dim3A_154 = vector.broadcast %broadcast_in_dim3A : f32 to vector<16xf32>
      %scan3A_155 = arith.constant 0 : i32
      %scan3A_156 = arith.constant 0 : i32
      %scan3A_157 = arith.constant 64 : i32
      %scan3A_158 = arith.addi %scan3A_156, %scan3A_157 : i32
      %scan3A_159 = arith.constant 2 : i32
      scf.for %scan3A_329 = %scan3A_156 to %scan3A_158 step %scan3A_159  : i32 {
        %get3A_330 = arith.constant 0 : i32
        %get3A_331 = arith.index_cast %get3A_330 : i32 to index
        %get3A_332 = arith.index_cast %scan3A_329 : i32 to index
        %get3A_333 = arith.constant 0 : index
        %get3A_334 = tpu.vector_load %arg9[%get3A_331, %get3A_332, %get3A_333] {strides = array<i32>} : memref<2x64x128xf32, #tpu.memory_space<vmem>>, vector<16xf32>,
        %bitcast3A = vector.bitcast %get3A_334 : vector<16xf32> to vector<32xbf16>
        %get3A_335 = arith.constant 0 : i32
        %get3A_336 = arith.index_cast %get3A_335 : i32 to index
        %get3A_337 = arith.index_cast %scan3A_329 : i32 to index
        %get3A_338 = arith.constant 64 : index
        %get3A_339 = tpu.vector_load %arg10[%get3A_336, %get3A_337, %get3A_338] {strides = array<i32>} : memref<2x64x128xf32, #tpu.memory_space<vmem>>, vector<16xf32>,
        %bitcast3A_340 = vector.bitcast %get3A_339 : vector<16xf32> to vector<32xbf16>
        %add3A_341 = arith.addf %bitcast3A, %bitcast3A_340 : vector<32xbf16>
        %bitcast3A_342 = vector.bitcast %add3A_341 : vector<32xbf16> to vector<16xi32>
        %shift_left3A = arith.constant 16 : i32
        %shift_left3A_343 = vector.broadcast %shift_left3A : i32 to vector<16xi32>
        %shift_left3A_344 = arith.shli %bitcast3A_342, %shift_left3A_343 : vector<16xi32>
        %bitcast3A_345 = vector.bitcast %shift_left3A_344 : vector<16xi32> to vector<16xf32>
        %and3A_346 = arith.constant -65536 : i32
        %and3A_347 = vector.broadcast %and3A_346 : i32 to vector<16xi32>
        %and3A_348 = arith.andi %bitcast3A_342, %and3A_347 : vector<16xi32>
        %bitcast3A_349 = vector.bitcast %and3A_348 : vector<16xi32> to vector<16xf32>
        %get3A_350 = arith.constant 0 : i32
        %get3A_351 = arith.index_cast %get3A_350 : i32 to index
        %get3A_352 = arith.index_cast %scan3A_329 : i32 to index
        %get3A_353 = arith.constant 0 : index
        %get3A_354 = tpu.vector_load %arg11[%get3A_351, %get3A_352, %get3A_353] {strides = array<i32>} : memref<2x64x128xf32, #tpu.memory_space<vmem>>, vector<16xf32>,
        %add3A_355 = arith.addf %bitcast3A_345, %get3A_354 : vector<16xf32>
        %get3A_356 = arith.constant 0 : i32
        %get3A_357 = arith.index_cast %get3A_356 : i32 to index
        %get3A_358 = arith.index_cast %scan3A_329 : i32 to index
        %get3A_359 = arith.constant 64 : index
        %get3A_360 = tpu.vector_load %arg11[%get3A_357, %get3A_358, %get3A_359] {strides = array<i32>} : memref<2x64x128xf32, #tpu.memory_space<vmem>>, vector<16xf32>,
        %add3A_361 = arith.addf %bitcast3A_349, %get3A_360 : vector<16xf32>
        %max3A = arith.maximumf %add3A_355, %broadcast_in_dim3A_154 : vector<16xf32>
        %swap3A_362 = arith.constant 0 : i32
        %swap3A_363 = arith.index_cast %swap3A_362 : i32 to index
        %swap3A_364 = arith.index_cast %scan3A_329 : i32 to index
        %swap3A_365 = arith.constant 0 : index
        %swap3A_366 = tpu.vector_load %arg9[%swap3A_363, %swap3A_364, %swap3A_365] {strides = array<i32>} : memref<2x64x128xf32, #tpu.memory_space<vmem>>, vector<16xf32>,
        tpu.vector_store %arg9[%swap3A_363, %swap3A_364, %swap3A_365], %max3A {strides = array<i32>} : memref<2x64x128xf32, #tpu.memory_space<vmem>>, vector<16xf32>,
        %max3A_367 = arith.maximumf %add3A_361, %broadcast_in_dim3A_154 : vector<16xf32>
        %swap3A_368 = arith.constant 0 : i32
        %swap3A_369 = arith.index_cast %swap3A_368 : i32 to index
        %swap3A_370 = arith.index_cast %scan3A_329 : i32 to index
        %swap3A_371 = arith.constant 64 : index
        %swap3A_372 = tpu.vector_load %arg9[%swap3A_369, %swap3A_370, %swap3A_371] {strides = array<i32>} : memref<2x64x128xf32, #tpu.memory_space<vmem>>, vector<16xf32>,
        tpu.vector_store %arg9[%swap3A_369, %swap3A_370, %swap3A_371], %max3A_367 {strides = array<i32>} : memref<2x64x128xf32, #tpu.memory_space<vmem>>, vector<16xf32>,
        %get3A_373 = arith.constant 0 : i32
        %get3A_374 = arith.index_cast %get3A_373 : i32 to index
        %get3A_375 = arith.index_cast %scan3A_329 : i32 to index
        %get3A_376 = arith.constant 16 : index
        %get3A_377 = tpu.vector_load %arg9[%get3A_374, %get3A_375, %get3A_376] {strides = array<i32>} : memref<2x64x128xf32, #tpu.memory_space<vmem>>, vector<16xf32>,
        %bitcast3A_378 = vector.bitcast %get3A_377 : vector<16xf32> to vector<32xbf16>
        %get3A_379 = arith.constant 0 : i32
        %get3A_380 = arith.index_cast %get3A_379 : i32 to index
        %get3A_381 = arith.index_cast %scan3A_329 : i32 to index
        %get3A_382 = arith.constant 80 : index
        %get3A_383 = tpu.vector_load %arg10[%get3A_380, %get3A_381, %get3A_382] {strides = array<i32>} : memref<2x64x128xf32, #tpu.memory_space<vmem>>, vector<16xf32>,
        %bitcast3A_384 = vector.bitcast %get3A_383 : vector<16xf32> to vector<32xbf16>
        %add3A_385 = arith.addf %bitcast3A_378, %bitcast3A_384 : vector<32xbf16>
        %bitcast3A_386 = vector.bitcast %add3A_385 : vector<32xbf16> to vector<16xi32>
        %shift_left3A_387 = arith.constant 16 : i32
        %shift_left3A_388 = vector.broadcast %shift_left3A_387 : i32 to vector<16xi32>
        %shift_left3A_389 = arith.shli %bitcast3A_386, %shift_left3A_388 : vector<16xi32>
        %bitcast3A_390 = vector.bitcast %shift_left3A_389 : vector<16xi32> to vector<16xf32>
        %and3A_391 = arith.constant -65536 : i32
        %and3A_392 = vector.broadcast %and3A_391 : i32 to vector<16xi32>
        %and3A_393 = arith.andi %bitcast3A_386, %and3A_392 : vector<16xi32>
        %bitcast3A_394 = vector.bitcast %and3A_393 : vector<16xi32> to vector<16xf32>
        %get3A_395 = arith.constant 0 : i32
        %get3A_396 = arith.index_cast %get3A_395 : i32 to index
        %get3A_397 = arith.index_cast %scan3A_329 : i32 to index
        %get3A_398 = arith.constant 16 : index
        %get3A_399 = tpu.vector_load %arg11[%get3A_396, %get3A_397, %get3A_398] {strides = array<i32>} : memref<2x64x128xf32, #tpu.memory_space<vmem>>, vector<16xf32>,
        %add3A_400 = arith.addf %bitcast3A_390, %get3A_399 : vector<16xf32>
        %get3A_401 = arith.constant 0 : i32
        %get3A_402 = arith.index_cast %get3A_401 : i32 to index
        %get3A_403 = arith.index_cast %scan3A_329 : i32 to index
        %get3A_404 = arith.constant 80 : index
        %get3A_405 = tpu.vector_load %arg11[%get3A_402, %get3A_403, %get3A_404] {strides = array<i32>} : memref<2x64x128xf32, #tpu.memory_space<vmem>>, vector<16xf32>,
        %add3A_406 = arith.addf %bitcast3A_394, %get3A_405 : vector<16xf32>
        %max3A_407 = arith.maximumf %add3A_400, %broadcast_in_dim3A_154 : vector<16xf32>
        %swap3A_408 = arith.constant 0 : i32
        %swap3A_409 = arith.index_cast %swap3A_408 : i32 to index
        %swap3A_410 = arith.index_cast %scan3A_329 : i32 to index
        %swap3A_411 = arith.constant 16 : index
        %swap3A_412 = tpu.vector_load %arg9[%swap3A_409, %swap3A_410, %swap3A_411] {strides = array<i32>} : memref<2x64x128xf32, #tpu.memory_space<vmem>>, vector<16xf32>,
        tpu.vector_store %arg9[%swap3A_409, %swap3A_410, %swap3A_411], %max3A_407 {strides = array<i32>} : memref<2x64x128xf32, #tpu.memory_space<vmem>>, vector<16xf32>,
        %max3A_413 = arith.maximumf %add3A_406, %broadcast_in_dim3A_154 : vector<16xf32>
        %swap3A_414 = arith.constant 0 : i32
        %swap3A_415 = arith.index_cast %swap3A_414 : i32 to index
        %swap3A_416 = arith.index_cast %scan3A_329 : i32 to index
        %swap3A_417 = arith.constant 80 : index
        %swap3A_418 = tpu.vector_load %arg9[%swap3A_415, %swap3A_416, %swap3A_417] {strides = array<i32>} : memref<2x64x128xf32, #tpu.memory_space<vmem>>, vector<16xf32>,
        tpu.vector_store %arg9[%swap3A_415, %swap3A_416, %swap3A_417], %max3A_413 {strides = array<i32>} : memref<2x64x128xf32, #tpu.memory_space<vmem>>, vector<16xf32>,
        %get3A_419 = arith.constant 0 : i32
        %get3A_420 = arith.index_cast %get3A_419 : i32 to index
        %get3A_421 = arith.index_cast %scan3A_329 : i32 to index
        %get3A_422 = arith.constant 32 : index
        %get3A_423 = tpu.vector_load %arg9[%get3A_420, %get3A_421, %get3A_422] {strides = array<i32>} : memref<2x64x128xf32, #tpu.memory_space<vmem>>, vector<16xf32>,
        %bitcast3A_424 = vector.bitcast %get3A_423 : vector<16xf32> to vector<32xbf16>
        %get3A_425 = arith.constant 0 : i32
        %get3A_426 = arith.index_cast %get3A_425 : i32 to index
        %get3A_427 = arith.index_cast %scan3A_329 : i32 to index
        %get3A_428 = arith.constant 96 : index
        %get3A_429 = tpu.vector_load %arg10[%get3A_426, %get3A_427, %get3A_428] {strides = array<i32>} : memref<2x64x128xf32, #tpu.memory_space<vmem>>, vector<16xf32>,
        %bitcast3A_430 = vector.bitcast %get3A_429 : vector<16xf32> to vector<32xbf16>
        %add3A_431 = arith.addf %bitcast3A_424, %bitcast3A_430 : vector<32xbf16>
        %bitcast3A_432 = vector.bitcast %add3A_431 : vector<32xbf16> to vector<16xi32>
        %shift_left3A_433 = arith.constant 16 : i32
        %shift_left3A_434 = vector.broadcast %shift_left3A_433 : i32 to vector<16xi32>
        %shift_left3A_435 = arith.shli %bitcast3A_432, %shift_left3A_434 : vector<16xi32>
        %bitcast3A_436 = vector.bitcast %shift_left3A_435 : vector<16xi32> to vector<16xf32>
        %and3A_437 = arith.constant -65536 : i32
        %and3A_438 = vector.broadcast %and3A_437 : i32 to vector<16xi32>
        %and3A_439 = arith.andi %bitcast3A_432, %and3A_438 : vector<16xi32>
        %bitcast3A_440 = vector.bitcast %and3A_439 : vector<16xi32> to vector<16xf32>
        %get3A_441 = arith.constant 0 : i32
        %get3A_442 = arith.index_cast %get3A_441 : i32 to index
        %get3A_443 = arith.index_cast %scan3A_329 : i32 to index
        %get3A_444 = arith.constant 32 : index
        %get3A_445 = tpu.vector_load %arg11[%get3A_442, %get3A_443, %get3A_444] {strides = array<i32>} : memref<2x64x128xf32, #tpu.memory_space<vmem>>, vector<16xf32>,
        %add3A_446 = arith.addf %bitcast3A_436, %get3A_445 : vector<16xf32>
        %get3A_447 = arith.constant 0 : i32
        %get3A_448 = arith.index_cast %get3A_447 : i32 to index
        %get3A_449 = arith.index_cast %scan3A_329 : i32 to index
        %get3A_450 = arith.constant 96 : index
        %get3A_451 = tpu.vector_load %arg11[%get3A_448, %get3A_449, %get3A_450] {strides = array<i32>} : memref<2x64x128xf32, #tpu.memory_space<vmem>>, vector<16xf32>,
        %add3A_452 = arith.addf %bitcast3A_440, %get3A_451 : vector<16xf32>
        %max3A_453 = arith.maximumf %add3A_446, %broadcast_in_dim3A_154 : vector<16xf32>
        %swap3A_454 = arith.constant 0 : i32
        %swap3A_455 = arith.index_cast %swap3A_454 : i32 to index
        %swap3A_456 = arith.index_cast %scan3A_329 : i32 to index
        %swap3A_457 = arith.constant 32 : index
        %swap3A_458 = tpu.vector_load %arg9[%swap3A_455, %swap3A_456, %swap3A_457] {strides = array<i32>} : memref<2x64x128xf32, #tpu.memory_space<vmem>>, vector<16xf32>,
        tpu.vector_store %arg9[%swap3A_455, %swap3A_456, %swap3A_457], %max3A_453 {strides = array<i32>} : memref<2x64x128xf32, #tpu.memory_space<vmem>>, vector<16xf32>,
        %max3A_459 = arith.maximumf %add3A_452, %broadcast_in_dim3A_154 : vector<16xf32>
        %swap3A_460 = arith.constant 0 : i32
        %swap3A_461 = arith.index_cast %swap3A_460 : i32 to index
        %swap3A_462 = arith.index_cast %scan3A_329 : i32 to index
        %swap3A_463 = arith.constant 96 : index
        %swap3A_464 = tpu.vector_load %arg9[%swap3A_461, %swap3A_462, %swap3A_463] {strides = array<i32>} : memref<2x64x128xf32, #tpu.memory_space<vmem>>, vector<16xf32>,
        tpu.vector_store %arg9[%swap3A_461, %swap3A_462, %swap3A_463], %max3A_459 {strides = array<i32>} : memref<2x64x128xf32, #tpu.memory_space<vmem>>, vector<16xf32>,
        %get3A_465 = arith.constant 0 : i32
        %get3A_466 = arith.index_cast %get3A_465 : i32 to index
        %get3A_467 = arith.index_cast %scan3A_329 : i32 to index
        %get3A_468 = arith.constant 48 : index
        %get3A_469 = tpu.vector_load %arg9[%get3A_466, %get3A_467, %get3A_468] {strides = array<i32>} : memref<2x64x128xf32, #tpu.memory_space<vmem>>, vector<16xf32>,
        %bitcast3A_470 = vector.bitcast %get3A_469 : vector<16xf32> to vector<32xbf16>
        %get3A_471 = arith.constant 0 : i32
        %get3A_472 = arith.index_cast %get3A_471 : i32 to index
        %get3A_473 = arith.index_cast %scan3A_329 : i32 to index
        %get3A_474 = arith.constant 112 : index
        %get3A_475 = tpu.vector_load %arg10[%get3A_472, %get3A_473, %get3A_474] {strides = array<i32>} : memref<2x64x128xf32, #tpu.memory_space<vmem>>, vector<16xf32>,
        %bitcast3A_476 = vector.bitcast %get3A_475 : vector<16xf32> to vector<32xbf16>
        %add3A_477 = arith.addf %bitcast3A_470, %bitcast3A_476 : vector<32xbf16>
        %bitcast3A_478 = vector.bitcast %add3A_477 : vector<32xbf16> to vector<16xi32>
        %shift_left3A_479 = arith.constant 16 : i32
        %shift_left3A_480 = vector.broadcast %shift_left3A_479 : i32 to vector<16xi32>
        %shift_left3A_481 = arith.shli %bitcast3A_478, %shift_left3A_480 : vector<16xi32>
        %bitcast3A_482 = vector.bitcast %shift_left3A_481 : vector<16xi32> to vector<16xf32>
        %and3A_483 = arith.constant -65536 : i32
        %and3A_484 = vector.broadcast %and3A_483 : i32 to vector<16xi32>
        %and3A_485 = arith.andi %bitcast3A_478, %and3A_484 : vector<16xi32>
        %bitcast3A_486 = vector.bitcast %and3A_485 : vector<16xi32> to vector<16xf32>
        %get3A_487 = arith.constant 0 : i32
        %get3A_488 = arith.index_cast %get3A_487 : i32 to index
        %get3A_489 = arith.index_cast %scan3A_329 : i32 to index
        %get3A_490 = arith.constant 48 : index
        %get3A_491 = tpu.vector_load %arg11[%get3A_488, %get3A_489, %get3A_490] {strides = array<i32>} : memref<2x64x128xf32, #tpu.memory_space<vmem>>, vector<16xf32>,
        %add3A_492 = arith.addf %bitcast3A_482, %get3A_491 : vector<16xf32>
        %get3A_493 = arith.constant 0 : i32
        %get3A_494 = arith.index_cast %get3A_493 : i32 to index
        %get3A_495 = arith.index_cast %scan3A_329 : i32 to index
        %get3A_496 = arith.constant 112 : index
        %get3A_497 = tpu.vector_load %arg11[%get3A_494, %get3A_495, %get3A_496] {strides = array<i32>} : memref<2x64x128xf32, #tpu.memory_space<vmem>>, vector<16xf32>,
        %add3A_498 = arith.addf %bitcast3A_486, %get3A_497 : vector<16xf32>
        %max3A_499 = arith.maximumf %add3A_492, %broadcast_in_dim3A_154 : vector<16xf32>
        %swap3A_500 = arith.constant 0 : i32
        %swap3A_501 = arith.index_cast %swap3A_500 : i32 to index
        %swap3A_502 = arith.index_cast %scan3A_329 : i32 to index
        %swap3A_503 = arith.constant 48 : index
        %swap3A_504 = tpu.vector_load %arg9[%swap3A_501, %swap3A_502, %swap3A_503] {strides = array<i32>} : memref<2x64x128xf32, #tpu.memory_space<vmem>>, vector<16xf32>,
        tpu.vector_store %arg9[%swap3A_501, %swap3A_502, %swap3A_503], %max3A_499 {strides = array<i32>} : memref<2x64x128xf32, #tpu.memory_space<vmem>>, vector<16xf32>,
        %max3A_505 = arith.maximumf %add3A_498, %broadcast_in_dim3A_154 : vector<16xf32>
        %swap3A_506 = arith.constant 0 : i32
        %swap3A_507 = arith.index_cast %swap3A_506 : i32 to index
        %swap3A_508 = arith.index_cast %scan3A_329 : i32 to index
        %swap3A_509 = arith.constant 112 : index
        %swap3A_510 = tpu.vector_load %arg9[%swap3A_507, %swap3A_508, %swap3A_509] {strides = array<i32>} : memref<2x64x128xf32, #tpu.memory_space<vmem>>, vector<16xf32>,
        tpu.vector_store %arg9[%swap3A_507, %swap3A_508, %swap3A_509], %max3A_505 {strides = array<i32>} : memref<2x64x128xf32, #tpu.memory_space<vmem>>, vector<16xf32>,
        %scan3A_511 = arith.constant 1 : i32
        %scan3A_512 = arith.addi %scan3A_329, %scan3A_511 : i32
        %get3A_513 = arith.constant 0 : i32
        %get3A_514 = arith.index_cast %get3A_513 : i32 to index
        %get3A_515 = arith.index_cast %scan3A_512 : i32 to index
        %get3A_516 = arith.constant 0 : index
        %get3A_517 = tpu.vector_load %arg9[%get3A_514, %get3A_515, %get3A_516] {strides = array<i32>} : memref<2x64x128xf32, #tpu.memory_space<vmem>>, vector<16xf32>,
        %bitcast3A_518 = vector.bitcast %get3A_517 : vector<16xf32> to vector<32xbf16>
        %get3A_519 = arith.constant 0 : i32
        %get3A_520 = arith.index_cast %get3A_519 : i32 to index
        %get3A_521 = arith.index_cast %scan3A_512 : i32 to index
        %get3A_522 = arith.constant 64 : index
        %get3A_523 = tpu.vector_load %arg10[%get3A_520, %get3A_521, %get3A_522] {strides = array<i32>} : memref<2x64x128xf32, #tpu.memory_space<vmem>>, vector<16xf32>,
        %bitcast3A_524 = vector.bitcast %get3A_523 : vector<16xf32> to vector<32xbf16>
        %add3A_525 = arith.addf %bitcast3A_518, %bitcast3A_524 : vector<32xbf16>
        %bitcast3A_526 = vector.bitcast %add3A_525 : vector<32xbf16> to vector<16xi32>
        %shift_left3A_527 = arith.constant 16 : i32
        %shift_left3A_528 = vector.broadcast %shift_left3A_527 : i32 to vector<16xi32>
        %shift_left3A_529 = arith.shli %bitcast3A_526, %shift_left3A_528 : vector<16xi32>
        %bitcast3A_530 = vector.bitcast %shift_left3A_529 : vector<16xi32> to vector<16xf32>
        %and3A_531 = arith.constant -65536 : i32
        %and3A_532 = vector.broadcast %and3A_531 : i32 to vector<16xi32>
        %and3A_533 = arith.andi %bitcast3A_526, %and3A_532 : vector<16xi32>
        %bitcast3A_534 = vector.bitcast %and3A_533 : vector<16xi32> to vector<16xf32>
        %get3A_535 = arith.constant 0 : i32
        %get3A_536 = arith.index_cast %get3A_535 : i32 to index
        %get3A_537 = arith.index_cast %scan3A_512 : i32 to index
        %get3A_538 = arith.constant 0 : index
        %get3A_539 = tpu.vector_load %arg11[%get3A_536, %get3A_537, %get3A_538] {strides = array<i32>} : memref<2x64x128xf32, #tpu.memory_space<vmem>>, vector<16xf32>,
        %add3A_540 = arith.addf %bitcast3A_530, %get3A_539 : vector<16xf32>
        %get3A_541 = arith.constant 0 : i32
        %get3A_542 = arith.index_cast %get3A_541 : i32 to index
        %get3A_543 = arith.index_cast %scan3A_512 : i32 to index
        %get3A_544 = arith.constant 64 : index
        %get3A_545 = tpu.vector_load %arg11[%get3A_542, %get3A_543, %get3A_544] {strides = array<i32>} : memref<2x64x128xf32, #tpu.memory_space<vmem>>, vector<16xf32>,
        %add3A_546 = arith.addf %bitcast3A_534, %get3A_545 : vector<16xf32>
        %max3A_547 = arith.maximumf %add3A_540, %broadcast_in_dim3A_154 : vector<16xf32>
        %swap3A_548 = arith.constant 0 : i32
        %swap3A_549 = arith.index_cast %swap3A_548 : i32 to index
        %swap3A_550 = arith.index_cast %scan3A_512 : i32 to index
        %swap3A_551 = arith.constant 0 : index
        %swap3A_552 = tpu.vector_load %arg9[%swap3A_549, %swap3A_550, %swap3A_551] {strides = array<i32>} : memref<2x64x128xf32, #tpu.memory_space<vmem>>, vector<16xf32>,
        tpu.vector_store %arg9[%swap3A_549, %swap3A_550, %swap3A_551], %max3A_547 {strides = array<i32>} : memref<2x64x128xf32, #tpu.memory_space<vmem>>, vector<16xf32>,
        %max3A_553 = arith.maximumf %add3A_546, %broadcast_in_dim3A_154 : vector<16xf32>
        %swap3A_554 = arith.constant 0 : i32
        %swap3A_555 = arith.index_cast %swap3A_554 : i32 to index
        %swap3A_556 = arith.index_cast %scan3A_512 : i32 to index
        %swap3A_557 = arith.constant 64 : index
        %swap3A_558 = tpu.vector_load %arg9[%swap3A_555, %swap3A_556, %swap3A_557] {strides = array<i32>} : memref<2x64x128xf32, #tpu.memory_space<vmem>>, vector<16xf32>,
        tpu.vector_store %arg9[%swap3A_555, %swap3A_556, %swap3A_557], %max3A_553 {strides = array<i32>} : memref<2x64x128xf32, #tpu.memory_space<vmem>>, vector<16xf32>,
        %get3A_559 = arith.constant 0 : i32
        %get3A_560 = arith.index_cast %get3A_559 : i32 to index
        %get3A_561 = arith.index_cast %scan3A_512 : i32 to index
        %get3A_562 = arith.constant 16 : index
        %get3A_563 = tpu.vector_load %arg9[%get3A_560, %get3A_561, %get3A_562] {strides = array<i32>} : memref<2x64x128xf32, #tpu.memory_space<vmem>>, vector<16xf32>,
        %bitcast3A_564 = vector.bitcast %get3A_563 : vector<16xf32> to vector<32xbf16>
        %get3A_565 = arith.constant 0 : i32
        %get3A_566 = arith.index_cast %get3A_565 : i32 to index
        %get3A_567 = arith.index_cast %scan3A_512 : i32 to index
        %get3A_568 = arith.constant 80 : index
        %get3A_569 = tpu.vector_load %arg10[%get3A_566, %get3A_567, %get3A_568] {strides = array<i32>} : memref<2x64x128xf32, #tpu.memory_space<vmem>>, vector<16xf32>,
        %bitcast3A_570 = vector.bitcast %get3A_569 : vector<16xf32> to vector<32xbf16>
        %add3A_571 = arith.addf %bitcast3A_564, %bitcast3A_570 : vector<32xbf16>
        %bitcast3A_572 = vector.bitcast %add3A_571 : vector<32xbf16> to vector<16xi32>
        %shift_left3A_573 = arith.constant 16 : i32
        %shift_left3A_574 = vector.broadcast %shift_left3A_573 : i32 to vector<16xi32>
        %shift_left3A_575 = arith.shli %bitcast3A_572, %shift_left3A_574 : vector<16xi32>
        %bitcast3A_576 = vector.bitcast %shift_left3A_575 : vector<16xi32> to vector<16xf32>
        %and3A_577 = arith.constant -65536 : i32
        %and3A_578 = vector.broadcast %and3A_577 : i32 to vector<16xi32>
        %and3A_579 = arith.andi %bitcast3A_572, %and3A_578 : vector<16xi32>
        %bitcast3A_580 = vector.bitcast %and3A_579 : vector<16xi32> to vector<16xf32>
        %get3A_581 = arith.constant 0 : i32
        %get3A_582 = arith.index_cast %get3A_581 : i32 to index
        %get3A_583 = arith.index_cast %scan3A_512 : i32 to index
        %get3A_584 = arith.constant 16 : index
        %get3A_585 = tpu.vector_load %arg11[%get3A_582, %get3A_583, %get3A_584] {strides = array<i32>} : memref<2x64x128xf32, #tpu.memory_space<vmem>>, vector<16xf32>,
        %add3A_586 = arith.addf %bitcast3A_576, %get3A_585 : vector<16xf32>
        %get3A_587 = arith.constant 0 : i32
        %get3A_588 = arith.index_cast %get3A_587 : i32 to index
        %get3A_589 = arith.index_cast %scan3A_512 : i32 to index
        %get3A_590 = arith.constant 80 : index
        %get3A_591 = tpu.vector_load %arg11[%get3A_588, %get3A_589, %get3A_590] {strides = array<i32>} : memref<2x64x128xf32, #tpu.memory_space<vmem>>, vector<16xf32>,
        %add3A_592 = arith.addf %bitcast3A_580, %get3A_591 : vector<16xf32>
        %max3A_593 = arith.maximumf %add3A_586, %broadcast_in_dim3A_154 : vector<16xf32>
        %swap3A_594 = arith.constant 0 : i32
        %swap3A_595 = arith.index_cast %swap3A_594 : i32 to index
        %swap3A_596 = arith.index_cast %scan3A_512 : i32 to index
        %swap3A_597 = arith.constant 16 : index
        %swap3A_598 = tpu.vector_load %arg9[%swap3A_595, %swap3A_596, %swap3A_597] {strides = array<i32>} : memref<2x64x128xf32, #tpu.memory_space<vmem>>, vector<16xf32>,
        tpu.vector_store %arg9[%swap3A_595, %swap3A_596, %swap3A_597], %max3A_593 {strides = array<i32>} : memref<2x64x128xf32, #tpu.memory_space<vmem>>, vector<16xf32>,
        %max3A_599 = arith.maximumf %add3A_592, %broadcast_in_dim3A_154 : vector<16xf32>
        %swap3A_600 = arith.constant 0 : i32
        %swap3A_601 = arith.index_cast %swap3A_600 : i32 to index
        %swap3A_602 = arith.index_cast %scan3A_512 : i32 to index
        %swap3A_603 = arith.constant 80 : index
        %swap3A_604 = tpu.vector_load %arg9[%swap3A_601, %swap3A_602, %swap3A_603] {strides = array<i32>} : memref<2x64x128xf32, #tpu.memory_space<vmem>>, vector<16xf32>,
        tpu.vector_store %arg9[%swap3A_601, %swap3A_602, %swap3A_603], %max3A_599 {strides = array<i32>} : memref<2x64x128xf32, #tpu.memory_space<vmem>>, vector<16xf32>,
        %get3A_605 = arith.constant 0 : i32
        %get3A_606 = arith.index_cast %get3A_605 : i32 to index
        %get3A_607 = arith.index_cast %scan3A_512 : i32 to index
        %get3A_608 = arith.constant 32 : index
        %get3A_609 = tpu.vector_load %arg9[%get3A_606, %get3A_607, %get3A_608] {strides = array<i32>} : memref<2x64x128xf32, #tpu.memory_space<vmem>>, vector<16xf32>,
        %bitcast3A_610 = vector.bitcast %get3A_609 : vector<16xf32> to vector<32xbf16>
        %get3A_611 = arith.constant 0 : i32
        %get3A_612 = arith.index_cast %get3A_611 : i32 to index
        %get3A_613 = arith.index_cast %scan3A_512 : i32 to index
        %get3A_614 = arith.constant 96 : index
        %get3A_615 = tpu.vector_load %arg10[%get3A_612, %get3A_613, %get3A_614] {strides = array<i32>} : memref<2x64x128xf32, #tpu.memory_space<vmem>>, vector<16xf32>,
        %bitcast3A_616 = vector.bitcast %get3A_615 : vector<16xf32> to vector<32xbf16>
        %add3A_617 = arith.addf %bitcast3A_610, %bitcast3A_616 : vector<32xbf16>
        %bitcast3A_618 = vector.bitcast %add3A_617 : vector<32xbf16> to vector<16xi32>
        %shift_left3A_619 = arith.constant 16 : i32
        %shift_left3A_620 = vector.broadcast %shift_left3A_619 : i32 to vector<16xi32>
        %shift_left3A_621 = arith.shli %bitcast3A_618, %shift_left3A_620 : vector<16xi32>
        %bitcast3A_622 = vector.bitcast %shift_left3A_621 : vector<16xi32> to vector<16xf32>
        %and3A_623 = arith.constant -65536 : i32
        %and3A_624 = vector.broadcast %and3A_623 : i32 to vector<16xi32>
        %and3A_625 = arith.andi %bitcast3A_618, %and3A_624 : vector<16xi32>
        %bitcast3A_626 = vector.bitcast %and3A_625 : vector<16xi32> to vector<16xf32>
        %get3A_627 = arith.constant 0 : i32
        %get3A_628 = arith.index_cast %get3A_627 : i32 to index
        %get3A_629 = arith.index_cast %scan3A_512 : i32 to index
        %get3A_630 = arith.constant 32 : index
        %get3A_631 = tpu.vector_load %arg11[%get3A_628, %get3A_629, %get3A_630] {strides = array<i32>} : memref<2x64x128xf32, #tpu.memory_space<vmem>>, vector<16xf32>,
        %add3A_632 = arith.addf %bitcast3A_622, %get3A_631 : vector<16xf32>
        %get3A_633 = arith.constant 0 : i32
        %get3A_634 = arith.index_cast %get3A_633 : i32 to index
        %get3A_635 = arith.index_cast %scan3A_512 : i32 to index
        %get3A_636 = arith.constant 96 : index
        %get3A_637 = tpu.vector_load %arg11[%get3A_634, %get3A_635, %get3A_636] {strides = array<i32>} : memref<2x64x128xf32, #tpu.memory_space<vmem>>, vector<16xf32>,
        %add3A_638 = arith.addf %bitcast3A_626, %get3A_637 : vector<16xf32>
        %max3A_639 = arith.maximumf %add3A_632, %broadcast_in_dim3A_154 : vector<16xf32>
        %swap3A_640 = arith.constant 0 : i32
        %swap3A_641 = arith.index_cast %swap3A_640 : i32 to index
        %swap3A_642 = arith.index_cast %scan3A_512 : i32 to index
        %swap3A_643 = arith.constant 32 : index
        %swap3A_644 = tpu.vector_load %arg9[%swap3A_641, %swap3A_642, %swap3A_643] {strides = array<i32>} : memref<2x64x128xf32, #tpu.memory_space<vmem>>, vector<16xf32>,
        tpu.vector_store %arg9[%swap3A_641, %swap3A_642, %swap3A_643], %max3A_639 {strides = array<i32>} : memref<2x64x128xf32, #tpu.memory_space<vmem>>, vector<16xf32>,
        %max3A_645 = arith.maximumf %add3A_638, %broadcast_in_dim3A_154 : vector<16xf32>
        %swap3A_646 = arith.constant 0 : i32
        %swap3A_647 = arith.index_cast %swap3A_646 : i32 to index
        %swap3A_648 = arith.index_cast %scan3A_512 : i32 to index
        %swap3A_649 = arith.constant 96 : index
        %swap3A_650 = tpu.vector_load %arg9[%swap3A_647, %swap3A_648, %swap3A_649] {strides = array<i32>} : memref<2x64x128xf32, #tpu.memory_space<vmem>>, vector<16xf32>,
        tpu.vector_store %arg9[%swap3A_647, %swap3A_648, %swap3A_649], %max3A_645 {strides = array<i32>} : memref<2x64x128xf32, #tpu.memory_space<vmem>>, vector<16xf32>,
        %get3A_651 = arith.constant 0 : i32
        %get3A_652 = arith.index_cast %get3A_651 : i32 to index
        %get3A_653 = arith.index_cast %scan3A_512 : i32 to index
        %get3A_654 = arith.constant 48 : index
        %get3A_655 = tpu.vector_load %arg9[%get3A_652, %get3A_653, %get3A_654] {strides = array<i32>} : memref<2x64x128xf32, #tpu.memory_space<vmem>>, vector<16xf32>,
        %bitcast3A_656 = vector.bitcast %get3A_655 : vector<16xf32> to vector<32xbf16>
        %get3A_657 = arith.constant 0 : i32
        %get3A_658 = arith.index_cast %get3A_657 : i32 to index
        %get3A_659 = arith.index_cast %scan3A_512 : i32 to index
        %get3A_660 = arith.constant 112 : index
        %get3A_661 = tpu.vector_load %arg10[%get3A_658, %get3A_659, %get3A_660] {strides = array<i32>} : memref<2x64x128xf32, #tpu.memory_space<vmem>>, vector<16xf32>,
        %bitcast3A_662 = vector.bitcast %get3A_661 : vector<16xf32> to vector<32xbf16>
        %add3A_663 = arith.addf %bitcast3A_656, %bitcast3A_662 : vector<32xbf16>
        %bitcast3A_664 = vector.bitcast %add3A_663 : vector<32xbf16> to vector<16xi32>
        %shift_left3A_665 = arith.constant 16 : i32
        %shift_left3A_666 = vector.broadcast %shift_left3A_665 : i32 to vector<16xi32>
        %shift_left3A_667 = arith.shli %bitcast3A_664, %shift_left3A_666 : vector<16xi32>
        %bitcast3A_668 = vector.bitcast %shift_left3A_667 : vector<16xi32> to vector<16xf32>
        %and3A_669 = arith.constant -65536 : i32
        %and3A_670 = vector.broadcast %and3A_669 : i32 to vector<16xi32>
        %and3A_671 = arith.andi %bitcast3A_664, %and3A_670 : vector<16xi32>
        %bitcast3A_672 = vector.bitcast %and3A_671 : vector<16xi32> to vector<16xf32>
        %get3A_673 = arith.constant 0 : i32
        %get3A_674 = arith.index_cast %get3A_673 : i32 to index
        %get3A_675 = arith.index_cast %scan3A_512 : i32 to index
        %get3A_676 = arith.constant 48 : index
        %get3A_677 = tpu.vector_load %arg11[%get3A_674, %get3A_675, %get3A_676] {strides = array<i32>} : memref<2x64x128xf32, #tpu.memory_space<vmem>>, vector<16xf32>,
        %add3A_678 = arith.addf %bitcast3A_668, %get3A_677 : vector<16xf32>
        %get3A_679 = arith.constant 0 : i32
        %get3A_680 = arith.index_cast %get3A_679 : i32 to index
        %get3A_681 = arith.index_cast %scan3A_512 : i32 to index
        %get3A_682 = arith.constant 112 : index
        %get3A_683 = tpu.vector_load %arg11[%get3A_680, %get3A_681, %get3A_682] {strides = array<i32>} : memref<2x64x128xf32, #tpu.memory_space<vmem>>, vector<16xf32>,
        %add3A_684 = arith.addf %bitcast3A_672, %get3A_683 : vector<16xf32>
        %max3A_685 = arith.maximumf %add3A_678, %broadcast_in_dim3A_154 : vector<16xf32>
        %swap3A_686 = arith.constant 0 : i32
        %swap3A_687 = arith.index_cast %swap3A_686 : i32 to index
        %swap3A_688 = arith.index_cast %scan3A_512 : i32 to index
        %swap3A_689 = arith.constant 48 : index
        %swap3A_690 = tpu.vector_load %arg9[%swap3A_687, %swap3A_688, %swap3A_689] {strides = array<i32>} : memref<2x64x128xf32, #tpu.memory_space<vmem>>, vector<16xf32>,
        tpu.vector_store %arg9[%swap3A_687, %swap3A_688, %swap3A_689], %max3A_685 {strides = array<i32>} : memref<2x64x128xf32, #tpu.memory_space<vmem>>, vector<16xf32>,
        %max3A_691 = arith.maximumf %add3A_684, %broadcast_in_dim3A_154 : vector<16xf32>
        %swap3A_692 = arith.constant 0 : i32
        %swap3A_693 = arith.index_cast %swap3A_692 : i32 to index
        %swap3A_694 = arith.index_cast %scan3A_512 : i32 to index
        %swap3A_695 = arith.constant 112 : index
        %swap3A_696 = tpu.vector_load %arg9[%swap3A_693, %swap3A_694, %swap3A_695] {strides = array<i32>} : memref<2x64x128xf32, #tpu.memory_space<vmem>>, vector<16xf32>,
        tpu.vector_store %arg9[%swap3A_693, %swap3A_694, %swap3A_695], %max3A_691 {strides = array<i32>} : memref<2x64x128xf32, #tpu.memory_space<vmem>>, vector<16xf32>,
      }
      %scan3A_160 = arith.constant 64 : i32
      %get3A = arith.constant 0 : i32
      %get3A_161 = arith.index_cast %get3A : i32 to index
      %get3A_162 = arith.constant 64 : index
      %get3A_163 = tpu.vector_load %arg7[%get3A_161, %get3A_162] {strides = array<i32>} : memref<2x128xi32, #tpu.memory_space<vmem>>, vector<16xi32>,
      %swap3A = arith.constant 0 : i32
      %swap3A_164 = arith.index_cast %swap3A : i32 to index
      %swap3A_165 = arith.constant 0 : index
      %swap3A_166 = tpu.vector_load %arg8[%swap3A_164, %swap3A_165] {strides = array<i32>} : memref<2x64xi32, #tpu.memory_space<vmem>>, vector<16xi32>,
      tpu.vector_store %arg8[%swap3A_164, %swap3A_165], %get3A_163 {strides = array<i32>} : memref<2x64xi32, #tpu.memory_space<vmem>>, vector<16xi32>,
      %get3A_167 = arith.constant 0 : i32
      %get3A_168 = arith.index_cast %get3A_167 : i32 to index
      %get3A_169 = arith.constant 80 : index
      %get3A_170 = tpu.vector_load %arg7[%get3A_168, %get3A_169] {strides = array<i32>} : memref<2x128xi32, #tpu.memory_space<vmem>>, vector<16xi32>,
      %swap3A_171 = arith.constant 0 : i32
      %swap3A_172 = arith.index_cast %swap3A_171 : i32 to index
      %swap3A_173 = arith.constant 16 : index
      %swap3A_174 = tpu.vector_load %arg8[%swap3A_172, %swap3A_173] {strides = array<i32>} : memref<2x64xi32, #tpu.memory_space<vmem>>, vector<16xi32>,
      tpu.vector_store %arg8[%swap3A_172, %swap3A_173], %get3A_170 {strides = array<i32>} : memref<2x64xi32, #tpu.memory_space<vmem>>, vector<16xi32>,
      %get3A_175 = arith.constant 0 : i32
      %get3A_176 = arith.index_cast %get3A_175 : i32 to index
      %get3A_177 = arith.constant 96 : index
      %get3A_178 = tpu.vector_load %arg7[%get3A_176, %get3A_177] {strides = array<i32>} : memref<2x128xi32, #tpu.memory_space<vmem>>, vector<16xi32>,
      %swap3A_179 = arith.constant 0 : i32
      %swap3A_180 = arith.index_cast %swap3A_179 : i32 to index
      %swap3A_181 = arith.constant 32 : index
      %swap3A_182 = tpu.vector_load %arg8[%swap3A_180, %swap3A_181] {strides = array<i32>} : memref<2x64xi32, #tpu.memory_space<vmem>>, vector<16xi32>,
      tpu.vector_store %arg8[%swap3A_180, %swap3A_181], %get3A_178 {strides = array<i32>} : memref<2x64xi32, #tpu.memory_space<vmem>>, vector<16xi32>,
      %get3A_183 = arith.constant 0 : i32
      %get3A_184 = arith.index_cast %get3A_183 : i32 to index
      %get3A_185 = arith.constant 112 : index
      %get3A_186 = tpu.vector_load %arg7[%get3A_184, %get3A_185] {strides = array<i32>} : memref<2x128xi32, #tpu.memory_space<vmem>>, vector<16xi32>,
      %swap3A_187 = arith.constant 0 : i32
      %swap3A_188 = arith.index_cast %swap3A_187 : i32 to index
      %swap3A_189 = arith.constant 48 : index
      %swap3A_190 = tpu.vector_load %arg8[%swap3A_188, %swap3A_189] {strides = array<i32>} : memref<2x64xi32, #tpu.memory_space<vmem>>, vector<16xi32>,
      tpu.vector_store %arg8[%swap3A_188, %swap3A_189], %get3A_186 {strides = array<i32>} : memref<2x64xi32, #tpu.memory_space<vmem>>, vector<16xi32>,
      %dma_start3A_191 = arith.constant 0 : i32
      %dma_start3A_192 = arith.constant 0 : i32
      %dma_start3A_193 = arith.constant 0 : i32
      %dma_start3A_194 = arith.constant 0 : i32
      %dma_start3A_195 = tpu.memref_slice %arg9[%dma_start3A_191, %dma_start3A_193, %dma_start3A_194] : memref<2x64x128xf32, #tpu.memory_space<vmem>> -> memref<1x64x128xf32, #tpu.memory_space<vmem>>
      %dma_start3A_196 = tpu.memref_squeeze %dma_start3A_195 : memref<1x64x128xf32, #tpu.memory_space<vmem>> -> memref<64x128xf32, #tpu.memory_space<vmem>>
      %dma_start3A_197 = arith.constant 0 : i32
      %dma_start3A_198 = tpu.memref_slice %arg8[%dma_start3A_192, %dma_start3A_197] : memref<2x64xi32, #tpu.memory_space<vmem>> -> memref<1x64xi32, #tpu.memory_space<vmem>>
      %dma_start3A_199 = tpu.memref_squeeze %dma_start3A_198 : memref<1x64xi32, #tpu.memory_space<vmem>> -> memref<64xi32, #tpu.memory_space<vmem>>
      %dma_start3A_200 = arith.constant 0 : i32
      %dma_start3A_201 = arith.constant 0 : i32
      %dma_start3A_202 = tpu.memref_slice %arg12[%dma_start3A_200, %dma_start3A_201] : memref<10112x128xf32, #tpu.memory_space<vmem_shared>> -> memref<10112x128xf32, #tpu.memory_space<vmem_shared>>
      tpu.enqueue_indirect_dma source(%dma_start3A_196 : memref<64x128xf32, #tpu.memory_space<vmem>>) target(%dma_start3A_202 : memref<10112x128xf32, #tpu.memory_space<vmem_shared>>) offsets(%dma_start3A_199 : memref<64xi32, #tpu.memory_space<vmem>>) semaphore(%arg17 : memref<!tpu.dma_semaphore, #tpu.memory_space<semaphore_mem>>) {add = true}
      %add3A_203 = arith.constant 2 : i32
      %add3A_204 = arith.addi %add3A_102, %add3A_203 : i32
      %lt3A_205 = arith.constant 158 : i32
      %lt3A_206 = arith.cmpi slt, %add3A_204, %lt3A_205 : i32
      %convert_element_type3A_207 = arith.extui %lt3A_206 : i1 to i32
      %cond3A_208 = arith.constant 0 : i32
      %cond3A_209 = arith.cmpi ne, %convert_element_type3A_207, %cond3A_208 : i32
      scf.if %cond3A_209 {
        %add3A_329 = arith.constant 2 : i32
        %add3A_330 = arith.addi %add3A_102, %add3A_329 : i32
        %mul3A_331 = arith.constant 158 : i32
        %mul3A_332 = arith.muli %add3A, %mul3A_331 : i32
        %add3A_333 = arith.addi %mul3A_332, %add3A_330 : i32
        %dma_start3A_334 = arith.constant 0 : i32
        %dma_start3A_335 = arith.constant 0 : i32
        %dma_start3A_336 = tpu.memref_slice %arg7[%dma_start3A_334, %dma_start3A_335] : memref<2x128xi32, #tpu.memory_space<vmem>> -> memref<1x128xi32, #tpu.memory_space<vmem>>
        %dma_start3A_337 = tpu.memref_squeeze %dma_start3A_336 : memref<1x128xi32, #tpu.memory_space<vmem>> -> memref<128xi32, #tpu.memory_space<vmem>>
        %dma_start3A_338 = arith.constant 0 : i32
        %dma_start3A_339 = tpu.memref_slice %arg2[%add3A_333, %dma_start3A_338] : memref<5056x128xi32, #tpu.memory_space<hbm>> -> memref<1x128xi32, #tpu.memory_space<hbm>>
        %dma_start3A_340 = tpu.memref_squeeze %dma_start3A_339 : memref<1x128xi32, #tpu.memory_space<hbm>> -> memref<128xi32, #tpu.memory_space<hbm>>
        %dma_start3A_341 = arith.constant 0 : i32
        %dma_start3A_342 = tpu.memref_slice %arg7[%dma_start3A_334, %dma_start3A_341] : memref<2x128xi32, #tpu.memory_space<vmem>> -> memref<1x128xi32, #tpu.memory_space<vmem>>
        %dma_start3A_343 = tpu.memref_squeeze %dma_start3A_342 : memref<1x128xi32, #tpu.memory_space<vmem>> -> memref<128xi32, #tpu.memory_space<vmem>>
        %dma_start3A_344 = arith.constant 0 : i32
        %dma_start3A_345 = tpu.memref_slice %arg2[%add3A_333, %dma_start3A_344] : memref<5056x128xi32, #tpu.memory_space<hbm>> -> memref<1x128xi32, #tpu.memory_space<hbm>>
        %dma_start3A_346 = tpu.memref_squeeze %dma_start3A_345 : memref<1x128xi32, #tpu.memory_space<hbm>> -> memref<128xi32, #tpu.memory_space<hbm>>
        tpu.enqueue_dma source(%dma_start3A_346 : memref<128xi32, #tpu.memory_space<hbm>>) target(%dma_start3A_343 : memref<128xi32, #tpu.memory_space<vmem>>) target_semaphore(%arg15 : memref<!tpu.dma_semaphore, #tpu.memory_space<semaphore_mem>>)
      } else {
      }
      %mul3A_210 = arith.constant 2 : i32
      %mul3A_211 = arith.muli %mul3A_210, %scan3A_98 : i32
      %add3A_212 = arith.constant 1 : i32
      %add3A_213 = arith.addi %mul3A_211, %add3A_212 : i32
      %dma_wait3A_214 = arith.constant 1 : i32
      %dma_wait3A_215 = arith.constant 1 : i32
      %dma_wait3A_216 = arith.constant 0 : i32
      %dma_wait3A_217 = arith.constant 0 : i32
      %dma_wait3A_218 = tpu.memref_slice %arg9[%dma_wait3A_215, %dma_wait3A_216, %dma_wait3A_217] : memref<2x64x128xf32, #tpu.memory_space<vmem>> -> memref<1x64x128xf32, #tpu.memory_space<vmem>>
      %dma_wait3A_219 = tpu.memref_squeeze %dma_wait3A_218 : memref<1x64x128xf32, #tpu.memory_space<vmem>> -> memref<64x128xf32, #tpu.memory_space<vmem>>
      %dma_wait3A_220 = arith.constant 0 : i32
      %dma_wait3A_221 = tpu.memref_slice %arg7[%dma_wait3A_214, %dma_wait3A_220] : memref<2x128xi32, #tpu.memory_space<vmem>> -> memref<1x64xi32, #tpu.memory_space<vmem>>
      %dma_wait3A_222 = tpu.memref_squeeze %dma_wait3A_221 : memref<1x64xi32, #tpu.memory_space<vmem>> -> memref<64xi32, #tpu.memory_space<vmem>>
      %dma_wait3A_223 = arith.constant 0 : i32
      %dma_wait3A_224 = arith.constant 0 : i32
      %dma_wait3A_225 = tpu.memref_slice %arg3[%dma_wait3A_223, %dma_wait3A_224] : memref<10008x128xf32, #tpu.memory_space<hbm>> -> memref<10008x128xf32, #tpu.memory_space<hbm>>
      tpu.wait_indirect_dma semaphore(%arg14 : memref<!tpu.dma_semaphore, #tpu.memory_space<semaphore_mem>>) src(%dma_wait3A_225 : memref<10008x128xf32, #tpu.memory_space<hbm>>) dst(%dma_wait3A_219 : memref<64x128xf32, #tpu.memory_space<vmem>>)
      %dma_wait3A_226 = arith.constant 1 : i32
      %dma_wait3A_227 = arith.constant 1 : i32
      %dma_wait3A_228 = arith.constant 0 : i32
      %dma_wait3A_229 = arith.constant 0 : i32
      %dma_wait3A_230 = tpu.memref_slice %arg10[%dma_wait3A_227, %dma_wait3A_228, %dma_wait3A_229] : memref<2x64x128xf32, #tpu.memory_space<vmem>> -> memref<1x64x128xf32, #tpu.memory_space<vmem>>
      %dma_wait3A_231 = tpu.memref_squeeze %dma_wait3A_230 : memref<1x64x128xf32, #tpu.memory_space<vmem>> -> memref<64x128xf32, #tpu.memory_space<vmem>>
      %dma_wait3A_232 = arith.constant 64 : i32
      %dma_wait3A_233 = tpu.memref_slice %arg7[%dma_wait3A_226, %dma_wait3A_232] : memref<2x128xi32, #tpu.memory_space<vmem>> -> memref<1x64xi32, #tpu.memory_space<vmem>>
      %dma_wait3A_234 = tpu.memref_squeeze %dma_wait3A_233 : memref<1x64xi32, #tpu.memory_space<vmem>> -> memref<64xi32, #tpu.memory_space<vmem>>
      %dma_wait3A_235 = arith.constant 0 : i32
      %dma_wait3A_236 = arith.constant 0 : i32
      %dma_wait3A_237 = tpu.memref_slice %arg3[%dma_wait3A_235, %dma_wait3A_236] : memref<10008x128xf32, #tpu.memory_space<hbm>> -> memref<10008x128xf32, #tpu.memory_space<hbm>>
      tpu.wait_indirect_dma semaphore(%arg14 : memref<!tpu.dma_semaphore, #tpu.memory_space<semaphore_mem>>) src(%dma_wait3A_237 : memref<10008x128xf32, #tpu.memory_space<hbm>>) dst(%dma_wait3A_231 : memref<64x128xf32, #tpu.memory_space<vmem>>)
      %dma_wait3A_238 = arith.constant 1 : i32
      %dma_wait3A_239 = arith.constant 0 : i32
      %dma_wait3A_240 = arith.constant 0 : i32
      %dma_wait3A_241 = tpu.memref_slice %arg11[%dma_wait3A_238, %dma_wait3A_239, %dma_wait3A_240] : memref<2x64x128xf32, #tpu.memory_space<vmem>> -> memref<1x64x128xf32, #tpu.memory_space<vmem>>
      %dma_wait3A_242 = tpu.memref_squeeze %dma_wait3A_241 : memref<1x64x128xf32, #tpu.memory_space<vmem>> -> memref<64x128xf32, #tpu.memory_space<vmem>>
      %dma_wait3A_243 = arith.constant 0 : i32
      %dma_wait3A_244 = arith.constant 0 : i32
      %dma_wait3A_245 = tpu.memref_slice %arg4[%dma_wait3A_243, %dma_wait3A_244] : memref<323584x128xf32, #tpu.memory_space<hbm>> -> memref<64x128xf32, #tpu.memory_space<hbm>>
      %dma_wait3A_246 = arith.constant 0 : i32
      %dma_wait3A_247 = arith.constant 0 : i32
      %dma_wait3A_248 = tpu.memref_slice %arg11[%dma_wait3A_238, %dma_wait3A_246, %dma_wait3A_247] : memref<2x64x128xf32, #tpu.memory_space<vmem>> -> memref<1x64x128xf32, #tpu.memory_space<vmem>>
      %dma_wait3A_249 = tpu.memref_squeeze %dma_wait3A_248 : memref<1x64x128xf32, #tpu.memory_space<vmem>> -> memref<64x128xf32, #tpu.memory_space<vmem>>
      %dma_wait3A_250 = arith.constant 0 : i32
      %dma_wait3A_251 = arith.constant 0 : i32
      %dma_wait3A_252 = tpu.memref_slice %arg4[%dma_wait3A_250, %dma_wait3A_251] : memref<323584x128xf32, #tpu.memory_space<hbm>> -> memref<64x128xf32, #tpu.memory_space<hbm>>
      tpu.wait_dma2 semaphore(%arg14 : memref<!tpu.dma_semaphore, #tpu.memory_space<semaphore_mem>>) src(%dma_wait3A_252 : memref<64x128xf32, #tpu.memory_space<hbm>>) dst(%dma_wait3A_249 : memref<64x128xf32, #tpu.memory_space<vmem>>)
      %ge3A_253 = arith.constant 1 : i32
      %ge3A_254 = arith.cmpi sge, %add3A_213, %ge3A_253 : i32
      %add3A_255 = arith.constant 1 : i32
      %add3A_256 = arith.addi %add3A_213, %add3A_255 : i32
      %lt3A_257 = arith.constant 158 : i32
      %lt3A_258 = arith.cmpi slt, %add3A_256, %lt3A_257 : i32
      %and3A_259 = arith.andi %ge3A_254, %lt3A_258 : i1
      %convert_element_type3A_260 = arith.extui %and3A_259 : i1 to i32
      %cond3A_261 = arith.constant 0 : i32
      %cond3A_262 = arith.cmpi ne, %convert_element_type3A_260, %cond3A_261 : i32
      scf.if %cond3A_262 {
        %dma_wait3A_329 = arith.constant 0 : i32
        %dma_wait3A_330 = arith.constant 0 : i32
        %dma_wait3A_331 = arith.constant 0 : i32
        %dma_wait3A_332 = arith.constant 0 : i32
        %dma_wait3A_333 = tpu.memref_slice %arg9[%dma_wait3A_329, %dma_wait3A_331, %dma_wait3A_332] : memref<2x64x128xf32, #tpu.memory_space<vmem>> -> memref<1x64x128xf32, #tpu.memory_space<vmem>>
        %dma_wait3A_334 = tpu.memref_squeeze %dma_wait3A_333 : memref<1x64x128xf32, #tpu.memory_space<vmem>> -> memref<64x128xf32, #tpu.memory_space<vmem>>
        %dma_wait3A_335 = arith.constant 0 : i32
        %dma_wait3A_336 = tpu.memref_slice %arg8[%dma_wait3A_330, %dma_wait3A_335] : memref<2x64xi32, #tpu.memory_space<vmem>> -> memref<1x64xi32, #tpu.memory_space<vmem>>
        %dma_wait3A_337 = tpu.memref_squeeze %dma_wait3A_336 : memref<1x64xi32, #tpu.memory_space<vmem>> -> memref<64xi32, #tpu.memory_space<vmem>>
        %dma_wait3A_338 = arith.constant 0 : i32
        %dma_wait3A_339 = arith.constant 0 : i32
        %dma_wait3A_340 = tpu.memref_slice %arg12[%dma_wait3A_338, %dma_wait3A_339] : memref<10112x128xf32, #tpu.memory_space<vmem_shared>> -> memref<10112x128xf32, #tpu.memory_space<vmem_shared>>
        tpu.wait_indirect_dma semaphore(%arg17 : memref<!tpu.dma_semaphore, #tpu.memory_space<semaphore_mem>>) src(%dma_wait3A_334 : memref<64x128xf32, #tpu.memory_space<vmem>>) dst(%dma_wait3A_340 : memref<10112x128xf32, #tpu.memory_space<vmem_shared>>)
      } else {
      }
      %add3A_263 = arith.constant 1 : i32
      %add3A_264 = arith.addi %add3A_213, %add3A_263 : i32
      %lt3A_265 = arith.constant 158 : i32
      %lt3A_266 = arith.cmpi slt, %add3A_264, %lt3A_265 : i32
      %convert_element_type3A_267 = arith.extui %lt3A_266 : i1 to i32
      %cond3A_268 = arith.constant 0 : i32
      %cond3A_269 = arith.cmpi ne, %convert_element_type3A_267, %cond3A_268 : i32
      scf.if %cond3A_269 {
        %dma_wait3A_329 = arith.constant 0 : i32
        %dma_wait3A_330 = arith.constant 0 : i32
        %dma_wait3A_331 = arith.constant 0 : i32
        %dma_wait3A_332 = tpu.memref_slice %arg7[%dma_wait3A_330, %dma_wait3A_331] : memref<2x128xi32, #tpu.memory_space<vmem>> -> memref<1x128xi32, #tpu.memory_space<vmem>>
        %dma_wait3A_333 = tpu.memref_squeeze %dma_wait3A_332 : memref<1x128xi32, #tpu.memory_space<vmem>> -> memref<128xi32, #tpu.memory_space<vmem>>
        %dma_wait3A_334 = arith.constant 0 : i32
        %dma_wait3A_335 = tpu.memref_slice %arg2[%dma_wait3A_329, %dma_wait3A_334] : memref<5056x128xi32, #tpu.memory_space<hbm>> -> memref<1x128xi32, #tpu.memory_space<hbm>>
        %dma_wait3A_336 = tpu.memref_squeeze %dma_wait3A_335 : memref<1x128xi32, #tpu.memory_space<hbm>> -> memref<128xi32, #tpu.memory_space<hbm>>
        %dma_wait3A_337 = arith.constant 0 : i32
        %dma_wait3A_338 = tpu.memref_slice %arg7[%dma_wait3A_330, %dma_wait3A_337] : memref<2x128xi32, #tpu.memory_space<vmem>> -> memref<1x128xi32, #tpu.memory_space<vmem>>
        %dma_wait3A_339 = tpu.memref_squeeze %dma_wait3A_338 : memref<1x128xi32, #tpu.memory_space<vmem>> -> memref<128xi32, #tpu.memory_space<vmem>>
        %dma_wait3A_340 = arith.constant 0 : i32
        %dma_wait3A_341 = tpu.memref_slice %arg2[%dma_wait3A_329, %dma_wait3A_340] : memref<5056x128xi32, #tpu.memory_space<hbm>> -> memref<1x128xi32, #tpu.memory_space<hbm>>
        %dma_wait3A_342 = tpu.memref_squeeze %dma_wait3A_341 : memref<1x128xi32, #tpu.memory_space<hbm>> -> memref<128xi32, #tpu.memory_space<hbm>>
        tpu.wait_dma2 semaphore(%arg15 : memref<!tpu.dma_semaphore, #tpu.memory_space<semaphore_mem>>) src(%dma_wait3A_342 : memref<128xi32, #tpu.memory_space<hbm>>) dst(%dma_wait3A_339 : memref<128xi32, #tpu.memory_space<vmem>>)
        %add3A_343 = arith.constant 1 : i32
        %add3A_344 = arith.addi %add3A_213, %add3A_343 : i32
        %mul3A_345 = arith.constant 158 : i32
        %mul3A_346 = arith.muli %add3A, %mul3A_345 : i32
        %add3A_347 = arith.addi %mul3A_346, %add3A_344 : i32
        %mul3A_348 = arith.constant 64 : i32
        %mul3A_349 = arith.muli %add3A_347, %mul3A_348 : i32
        %dma_start3A_350 = arith.constant 0 : i32
        %dma_start3A_351 = arith.constant 0 : i32
        %dma_start3A_352 = arith.constant 0 : i32
        %dma_start3A_353 = arith.constant 0 : i32
        %dma_start3A_354 = tpu.memref_slice %arg9[%dma_start3A_351, %dma_start3A_352, %dma_start3A_353] : memref<2x64x128xf32, #tpu.memory_space<vmem>> -> memref<1x64x128xf32, #tpu.memory_space<vmem>>
        %dma_start3A_355 = tpu.memref_squeeze %dma_start3A_354 : memref<1x64x128xf32, #tpu.memory_space<vmem>> -> memref<64x128xf32, #tpu.memory_space<vmem>>
        %dma_start3A_356 = arith.constant 0 : i32
        %dma_start3A_357 = tpu.memref_slice %arg7[%dma_start3A_350, %dma_start3A_356] : memref<2x128xi32, #tpu.memory_space<vmem>> -> memref<1x64xi32, #tpu.memory_space<vmem>>
        %dma_start3A_358 = tpu.memref_squeeze %dma_start3A_357 : memref<1x64xi32, #tpu.memory_space<vmem>> -> memref<64xi32, #tpu.memory_space<vmem>>
        %dma_start3A_359 = arith.constant 0 : i32
        %dma_start3A_360 = arith.constant 0 : i32
        %dma_start3A_361 = tpu.memref_slice %arg3[%dma_start3A_359, %dma_start3A_360] : memref<10008x128xf32, #tpu.memory_space<hbm>> -> memref<10008x128xf32, #tpu.memory_space<hbm>>
        tpu.enqueue_indirect_dma source(%dma_start3A_361 : memref<10008x128xf32, #tpu.memory_space<hbm>>) target(%dma_start3A_355 : memref<64x128xf32, #tpu.memory_space<vmem>>) offsets(%dma_start3A_358 : memref<64xi32, #tpu.memory_space<vmem>>) semaphore(%arg13 : memref<!tpu.dma_semaphore, #tpu.memory_space<semaphore_mem>>)
        %dma_start3A_362 = arith.constant 0 : i32
        %dma_start3A_363 = arith.constant 0 : i32
        %dma_start3A_364 = arith.constant 0 : i32
        %dma_start3A_365 = arith.constant 0 : i32
        %dma_start3A_366 = tpu.memref_slice %arg10[%dma_start3A_363, %dma_start3A_364, %dma_start3A_365] : memref<2x64x128xf32, #tpu.memory_space<vmem>> -> memref<1x64x128xf32, #tpu.memory_space<vmem>>
        %dma_start3A_367 = tpu.memref_squeeze %dma_start3A_366 : memref<1x64x128xf32, #tpu.memory_space<vmem>> -> memref<64x128xf32, #tpu.memory_space<vmem>>
        %dma_start3A_368 = arith.constant 64 : i32
        %dma_start3A_369 = tpu.memref_slice %arg7[%dma_start3A_362, %dma_start3A_368] : memref<2x128xi32, #tpu.memory_space<vmem>> -> memref<1x64xi32, #tpu.memory_space<vmem>>
        %dma_start3A_370 = tpu.memref_squeeze %dma_start3A_369 : memref<1x64xi32, #tpu.memory_space<vmem>> -> memref<64xi32, #tpu.memory_space<vmem>>
        %dma_start3A_371 = arith.constant 0 : i32
        %dma_start3A_372 = arith.constant 0 : i32
        %dma_start3A_373 = tpu.memref_slice %arg3[%dma_start3A_371, %dma_start3A_372] : memref<10008x128xf32, #tpu.memory_space<hbm>> -> memref<10008x128xf32, #tpu.memory_space<hbm>>
        tpu.enqueue_indirect_dma source(%dma_start3A_373 : memref<10008x128xf32, #tpu.memory_space<hbm>>) target(%dma_start3A_367 : memref<64x128xf32, #tpu.memory_space<vmem>>) offsets(%dma_start3A_370 : memref<64xi32, #tpu.memory_space<vmem>>) semaphore(%arg13 : memref<!tpu.dma_semaphore, #tpu.memory_space<semaphore_mem>>)
        %dma_start3A_374 = arith.constant 0 : i32
        %dma_start3A_375 = arith.constant 0 : i32
        %dma_start3A_376 = arith.constant 0 : i32
        %dma_start3A_377 = tpu.memref_slice %arg11[%dma_start3A_374, %dma_start3A_375, %dma_start3A_376] : memref<2x64x128xf32, #tpu.memory_space<vmem>> -> memref<1x64x128xf32, #tpu.memory_space<vmem>>
        %dma_start3A_378 = tpu.memref_squeeze %dma_start3A_377 : memref<1x64x128xf32, #tpu.memory_space<vmem>> -> memref<64x128xf32, #tpu.memory_space<vmem>>
        %dma_start3A_379 = arith.constant 0 : i32
        %dma_start3A_380 = tpu.memref_slice %arg4[%mul3A_349, %dma_start3A_379] : memref<323584x128xf32, #tpu.memory_space<hbm>> -> memref<64x128xf32, #tpu.memory_space<hbm>>
        %dma_start3A_381 = arith.constant 0 : i32
        %dma_start3A_382 = arith.constant 0 : i32
        %dma_start3A_383 = tpu.memref_slice %arg11[%dma_start3A_374, %dma_start3A_381, %dma_start3A_382] : memref<2x64x128xf32, #tpu.memory_space<vmem>> -> memref<1x64x128xf32, #tpu.memory_space<vmem>>
        %dma_start3A_384 = tpu.memref_squeeze %dma_start3A_383 : memref<1x64x128xf32, #tpu.memory_space<vmem>> -> memref<64x128xf32, #tpu.memory_space<vmem>>
        %dma_start3A_385 = arith.constant 0 : i32
        %dma_start3A_386 = tpu.memref_slice %arg4[%mul3A_349, %dma_start3A_385] : memref<323584x128xf32, #tpu.memory_space<hbm>> -> memref<64x128xf32, #tpu.memory_space<hbm>>
        tpu.enqueue_dma source(%dma_start3A_386 : memref<64x128xf32, #tpu.memory_space<hbm>>) target(%dma_start3A_384 : memref<64x128xf32, #tpu.memory_space<vmem>>) target_semaphore(%arg13 : memref<!tpu.dma_semaphore, #tpu.memory_space<semaphore_mem>>)
      } else {
      }
      %broadcast_in_dim3A_270 = arith.constant 0.000000e+00 : f32
      %broadcast_in_dim3A_271 = vector.broadcast %broadcast_in_dim3A_270 : f32 to vector<16xf32>
      %scan3A_272 = arith.constant 0 : i32
      %scan3A_273 = arith.constant 0 : i32
      %scan3A_274 = arith.constant 64 : i32
      %scan3A_275 = arith.addi %scan3A_273, %scan3A_274 : i32
      %scan3A_276 = arith.constant 2 : i32
      scf.for %scan3A_329 = %scan3A_273 to %scan3A_275 step %scan3A_276  : i32 {
        %get3A_330 = arith.constant 1 : i32
        %get3A_331 = arith.index_cast %get3A_330 : i32 to index
        %get3A_332 = arith.index_cast %scan3A_329 : i32 to index
        %get3A_333 = arith.constant 0 : index
        %get3A_334 = tpu.vector_load %arg9[%get3A_331, %get3A_332, %get3A_333] {strides = array<i32>} : memref<2x64x128xf32, #tpu.memory_space<vmem>>, vector<16xf32>,
        %bitcast3A = vector.bitcast %get3A_334 : vector<16xf32> to vector<32xbf16>
        %get3A_335 = arith.constant 1 : i32
        %get3A_336 = arith.index_cast %get3A_335 : i32 to index
        %get3A_337 = arith.index_cast %scan3A_329 : i32 to index
        %get3A_338 = arith.constant 64 : index
        %get3A_339 = tpu.vector_load %arg10[%get3A_336, %get3A_337, %get3A_338] {strides = array<i32>} : memref<2x64x128xf32, #tpu.memory_space<vmem>>, vector<16xf32>,
        %bitcast3A_340 = vector.bitcast %get3A_339 : vector<16xf32> to vector<32xbf16>
        %add3A_341 = arith.addf %bitcast3A, %bitcast3A_340 : vector<32xbf16>
        %bitcast3A_342 = vector.bitcast %add3A_341 : vector<32xbf16> to vector<16xi32>
        %shift_left3A = arith.constant 16 : i32
        %shift_left3A_343 = vector.broadcast %shift_left3A : i32 to vector<16xi32>
        %shift_left3A_344 = arith.shli %bitcast3A_342, %shift_left3A_343 : vector<16xi32>
        %bitcast3A_345 = vector.bitcast %shift_left3A_344 : vector<16xi32> to vector<16xf32>
        %and3A_346 = arith.constant -65536 : i32
        %and3A_347 = vector.broadcast %and3A_346 : i32 to vector<16xi32>
        %and3A_348 = arith.andi %bitcast3A_342, %and3A_347 : vector<16xi32>
        %bitcast3A_349 = vector.bitcast %and3A_348 : vector<16xi32> to vector<16xf32>
        %get3A_350 = arith.constant 1 : i32
        %get3A_351 = arith.index_cast %get3A_350 : i32 to index
        %get3A_352 = arith.index_cast %scan3A_329 : i32 to index
        %get3A_353 = arith.constant 0 : index
        %get3A_354 = tpu.vector_load %arg11[%get3A_351, %get3A_352, %get3A_353] {strides = array<i32>} : memref<2x64x128xf32, #tpu.memory_space<vmem>>, vector<16xf32>,
        %add3A_355 = arith.addf %bitcast3A_345, %get3A_354 : vector<16xf32>
        %get3A_356 = arith.constant 1 : i32
        %get3A_357 = arith.index_cast %get3A_356 : i32 to index
        %get3A_358 = arith.index_cast %scan3A_329 : i32 to index
        %get3A_359 = arith.constant 64 : index
        %get3A_360 = tpu.vector_load %arg11[%get3A_357, %get3A_358, %get3A_359] {strides = array<i32>} : memref<2x64x128xf32, #tpu.memory_space<vmem>>, vector<16xf32>,
        %add3A_361 = arith.addf %bitcast3A_349, %get3A_360 : vector<16xf32>
        %max3A = arith.maximumf %add3A_355, %broadcast_in_dim3A_271 : vector<16xf32>
        %swap3A_362 = arith.constant 1 : i32
        %swap3A_363 = arith.index_cast %swap3A_362 : i32 to index
        %swap3A_364 = arith.index_cast %scan3A_329 : i32 to index
        %swap3A_365 = arith.constant 0 : index
        %swap3A_366 = tpu.vector_load %arg9[%swap3A_363, %swap3A_364, %swap3A_365] {strides = array<i32>} : memref<2x64x128xf32, #tpu.memory_space<vmem>>, vector<16xf32>,
        tpu.vector_store %arg9[%swap3A_363, %swap3A_364, %swap3A_365], %max3A {strides = array<i32>} : memref<2x64x128xf32, #tpu.memory_space<vmem>>, vector<16xf32>,
        %max3A_367 = arith.maximumf %add3A_361, %broadcast_in_dim3A_271 : vector<16xf32>
        %swap3A_368 = arith.constant 1 : i32
        %swap3A_369 = arith.index_cast %swap3A_368 : i32 to index
        %swap3A_370 = arith.index_cast %scan3A_329 : i32 to index
        %swap3A_371 = arith.constant 64 : index
        %swap3A_372 = tpu.vector_load %arg9[%swap3A_369, %swap3A_370, %swap3A_371] {strides = array<i32>} : memref<2x64x128xf32, #tpu.memory_space<vmem>>, vector<16xf32>,
        tpu.vector_store %arg9[%swap3A_369, %swap3A_370, %swap3A_371], %max3A_367 {strides = array<i32>} : memref<2x64x128xf32, #tpu.memory_space<vmem>>, vector<16xf32>,
        %get3A_373 = arith.constant 1 : i32
        %get3A_374 = arith.index_cast %get3A_373 : i32 to index
        %get3A_375 = arith.index_cast %scan3A_329 : i32 to index
        %get3A_376 = arith.constant 16 : index
        %get3A_377 = tpu.vector_load %arg9[%get3A_374, %get3A_375, %get3A_376] {strides = array<i32>} : memref<2x64x128xf32, #tpu.memory_space<vmem>>, vector<16xf32>,
        %bitcast3A_378 = vector.bitcast %get3A_377 : vector<16xf32> to vector<32xbf16>
        %get3A_379 = arith.constant 1 : i32
        %get3A_380 = arith.index_cast %get3A_379 : i32 to index
        %get3A_381 = arith.index_cast %scan3A_329 : i32 to index
        %get3A_382 = arith.constant 80 : index
        %get3A_383 = tpu.vector_load %arg10[%get3A_380, %get3A_381, %get3A_382] {strides = array<i32>} : memref<2x64x128xf32, #tpu.memory_space<vmem>>, vector<16xf32>,
        %bitcast3A_384 = vector.bitcast %get3A_383 : vector<16xf32> to vector<32xbf16>
        %add3A_385 = arith.addf %bitcast3A_378, %bitcast3A_384 : vector<32xbf16>
        %bitcast3A_386 = vector.bitcast %add3A_385 : vector<32xbf16> to vector<16xi32>
        %shift_left3A_387 = arith.constant 16 : i32
        %shift_left3A_388 = vector.broadcast %shift_left3A_387 : i32 to vector<16xi32>
        %shift_left3A_389 = arith.shli %bitcast3A_386, %shift_left3A_388 : vector<16xi32>
        %bitcast3A_390 = vector.bitcast %shift_left3A_389 : vector<16xi32> to vector<16xf32>
        %and3A_391 = arith.constant -65536 : i32
        %and3A_392 = vector.broadcast %and3A_391 : i32 to vector<16xi32>
        %and3A_393 = arith.andi %bitcast3A_386, %and3A_392 : vector<16xi32>
        %bitcast3A_394 = vector.bitcast %and3A_393 : vector<16xi32> to vector<16xf32>
        %get3A_395 = arith.constant 1 : i32
        %get3A_396 = arith.index_cast %get3A_395 : i32 to index
        %get3A_397 = arith.index_cast %scan3A_329 : i32 to index
        %get3A_398 = arith.constant 16 : index
        %get3A_399 = tpu.vector_load %arg11[%get3A_396, %get3A_397, %get3A_398] {strides = array<i32>} : memref<2x64x128xf32, #tpu.memory_space<vmem>>, vector<16xf32>,
        %add3A_400 = arith.addf %bitcast3A_390, %get3A_399 : vector<16xf32>
        %get3A_401 = arith.constant 1 : i32
        %get3A_402 = arith.index_cast %get3A_401 : i32 to index
        %get3A_403 = arith.index_cast %scan3A_329 : i32 to index
        %get3A_404 = arith.constant 80 : index
        %get3A_405 = tpu.vector_load %arg11[%get3A_402, %get3A_403, %get3A_404] {strides = array<i32>} : memref<2x64x128xf32, #tpu.memory_space<vmem>>, vector<16xf32>,
        %add3A_406 = arith.addf %bitcast3A_394, %get3A_405 : vector<16xf32>
        %max3A_407 = arith.maximumf %add3A_400, %broadcast_in_dim3A_271 : vector<16xf32>
        %swap3A_408 = arith.constant 1 : i32
        %swap3A_409 = arith.index_cast %swap3A_408 : i32 to index
        %swap3A_410 = arith.index_cast %scan3A_329 : i32 to index
        %swap3A_411 = arith.constant 16 : index
        %swap3A_412 = tpu.vector_load %arg9[%swap3A_409, %swap3A_410, %swap3A_411] {strides = array<i32>} : memref<2x64x128xf32, #tpu.memory_space<vmem>>, vector<16xf32>,
        tpu.vector_store %arg9[%swap3A_409, %swap3A_410, %swap3A_411], %max3A_407 {strides = array<i32>} : memref<2x64x128xf32, #tpu.memory_space<vmem>>, vector<16xf32>,
        %max3A_413 = arith.maximumf %add3A_406, %broadcast_in_dim3A_271 : vector<16xf32>
        %swap3A_414 = arith.constant 1 : i32
        %swap3A_415 = arith.index_cast %swap3A_414 : i32 to index
        %swap3A_416 = arith.index_cast %scan3A_329 : i32 to index
        %swap3A_417 = arith.constant 80 : index
        %swap3A_418 = tpu.vector_load %arg9[%swap3A_415, %swap3A_416, %swap3A_417] {strides = array<i32>} : memref<2x64x128xf32, #tpu.memory_space<vmem>>, vector<16xf32>,
        tpu.vector_store %arg9[%swap3A_415, %swap3A_416, %swap3A_417], %max3A_413 {strides = array<i32>} : memref<2x64x128xf32, #tpu.memory_space<vmem>>, vector<16xf32>,
        %get3A_419 = arith.constant 1 : i32
        %get3A_420 = arith.index_cast %get3A_419 : i32 to index
        %get3A_421 = arith.index_cast %scan3A_329 : i32 to index
        %get3A_422 = arith.constant 32 : index
        %get3A_423 = tpu.vector_load %arg9[%get3A_420, %get3A_421, %get3A_422] {strides = array<i32>} : memref<2x64x128xf32, #tpu.memory_space<vmem>>, vector<16xf32>,
        %bitcast3A_424 = vector.bitcast %get3A_423 : vector<16xf32> to vector<32xbf16>
        %get3A_425 = arith.constant 1 : i32
        %get3A_426 = arith.index_cast %get3A_425 : i32 to index
        %get3A_427 = arith.index_cast %scan3A_329 : i32 to index
        %get3A_428 = arith.constant 96 : index
        %get3A_429 = tpu.vector_load %arg10[%get3A_426, %get3A_427, %get3A_428] {strides = array<i32>} : memref<2x64x128xf32, #tpu.memory_space<vmem>>, vector<16xf32>,
        %bitcast3A_430 = vector.bitcast %get3A_429 : vector<16xf32> to vector<32xbf16>
        %add3A_431 = arith.addf %bitcast3A_424, %bitcast3A_430 : vector<32xbf16>
        %bitcast3A_432 = vector.bitcast %add3A_431 : vector<32xbf16> to vector<16xi32>
        %shift_left3A_433 = arith.constant 16 : i32
        %shift_left3A_434 = vector.broadcast %shift_left3A_433 : i32 to vector<16xi32>
        %shift_left3A_435 = arith.shli %bitcast3A_432, %shift_left3A_434 : vector<16xi32>
        %bitcast3A_436 = vector.bitcast %shift_left3A_435 : vector<16xi32> to vector<16xf32>
        %and3A_437 = arith.constant -65536 : i32
        %and3A_438 = vector.broadcast %and3A_437 : i32 to vector<16xi32>
        %and3A_439 = arith.andi %bitcast3A_432, %and3A_438 : vector<16xi32>
        %bitcast3A_440 = vector.bitcast %and3A_439 : vector<16xi32> to vector<16xf32>
        %get3A_441 = arith.constant 1 : i32
        %get3A_442 = arith.index_cast %get3A_441 : i32 to index
        %get3A_443 = arith.index_cast %scan3A_329 : i32 to index
        %get3A_444 = arith.constant 32 : index
        %get3A_445 = tpu.vector_load %arg11[%get3A_442, %get3A_443, %get3A_444] {strides = array<i32>} : memref<2x64x128xf32, #tpu.memory_space<vmem>>, vector<16xf32>,
        %add3A_446 = arith.addf %bitcast3A_436, %get3A_445 : vector<16xf32>
        %get3A_447 = arith.constant 1 : i32
        %get3A_448 = arith.index_cast %get3A_447 : i32 to index
        %get3A_449 = arith.index_cast %scan3A_329 : i32 to index
        %get3A_450 = arith.constant 96 : index
        %get3A_451 = tpu.vector_load %arg11[%get3A_448, %get3A_449, %get3A_450] {strides = array<i32>} : memref<2x64x128xf32, #tpu.memory_space<vmem>>, vector<16xf32>,
        %add3A_452 = arith.addf %bitcast3A_440, %get3A_451 : vector<16xf32>
        %max3A_453 = arith.maximumf %add3A_446, %broadcast_in_dim3A_271 : vector<16xf32>
        %swap3A_454 = arith.constant 1 : i32
        %swap3A_455 = arith.index_cast %swap3A_454 : i32 to index
        %swap3A_456 = arith.index_cast %scan3A_329 : i32 to index
        %swap3A_457 = arith.constant 32 : index
        %swap3A_458 = tpu.vector_load %arg9[%swap3A_455, %swap3A_456, %swap3A_457] {strides = array<i32>} : memref<2x64x128xf32, #tpu.memory_space<vmem>>, vector<16xf32>,
        tpu.vector_store %arg9[%swap3A_455, %swap3A_456, %swap3A_457], %max3A_453 {strides = array<i32>} : memref<2x64x128xf32, #tpu.memory_space<vmem>>, vector<16xf32>,
        %max3A_459 = arith.maximumf %add3A_452, %broadcast_in_dim3A_271 : vector<16xf32>
        %swap3A_460 = arith.constant 1 : i32
        %swap3A_461 = arith.index_cast %swap3A_460 : i32 to index
        %swap3A_462 = arith.index_cast %scan3A_329 : i32 to index
        %swap3A_463 = arith.constant 96 : index
        %swap3A_464 = tpu.vector_load %arg9[%swap3A_461, %swap3A_462, %swap3A_463] {strides = array<i32>} : memref<2x64x128xf32, #tpu.memory_space<vmem>>, vector<16xf32>,
        tpu.vector_store %arg9[%swap3A_461, %swap3A_462, %swap3A_463], %max3A_459 {strides = array<i32>} : memref<2x64x128xf32, #tpu.memory_space<vmem>>, vector<16xf32>,
        %get3A_465 = arith.constant 1 : i32
        %get3A_466 = arith.index_cast %get3A_465 : i32 to index
        %get3A_467 = arith.index_cast %scan3A_329 : i32 to index
        %get3A_468 = arith.constant 48 : index
        %get3A_469 = tpu.vector_load %arg9[%get3A_466, %get3A_467, %get3A_468] {strides = array<i32>} : memref<2x64x128xf32, #tpu.memory_space<vmem>>, vector<16xf32>,
        %bitcast3A_470 = vector.bitcast %get3A_469 : vector<16xf32> to vector<32xbf16>
        %get3A_471 = arith.constant 1 : i32
        %get3A_472 = arith.index_cast %get3A_471 : i32 to index
        %get3A_473 = arith.index_cast %scan3A_329 : i32 to index
        %get3A_474 = arith.constant 112 : index
        %get3A_475 = tpu.vector_load %arg10[%get3A_472, %get3A_473, %get3A_474] {strides = array<i32>} : memref<2x64x128xf32, #tpu.memory_space<vmem>>, vector<16xf32>,
        %bitcast3A_476 = vector.bitcast %get3A_475 : vector<16xf32> to vector<32xbf16>
        %add3A_477 = arith.addf %bitcast3A_470, %bitcast3A_476 : vector<32xbf16>
        %bitcast3A_478 = vector.bitcast %add3A_477 : vector<32xbf16> to vector<16xi32>
        %shift_left3A_479 = arith.constant 16 : i32
        %shift_left3A_480 = vector.broadcast %shift_left3A_479 : i32 to vector<16xi32>
        %shift_left3A_481 = arith.shli %bitcast3A_478, %shift_left3A_480 : vector<16xi32>
        %bitcast3A_482 = vector.bitcast %shift_left3A_481 : vector<16xi32> to vector<16xf32>
        %and3A_483 = arith.constant -65536 : i32
        %and3A_484 = vector.broadcast %and3A_483 : i32 to vector<16xi32>
        %and3A_485 = arith.andi %bitcast3A_478, %and3A_484 : vector<16xi32>
        %bitcast3A_486 = vector.bitcast %and3A_485 : vector<16xi32> to vector<16xf32>
        %get3A_487 = arith.constant 1 : i32
        %get3A_488 = arith.index_cast %get3A_487 : i32 to index
        %get3A_489 = arith.index_cast %scan3A_329 : i32 to index
        %get3A_490 = arith.constant 48 : index
        %get3A_491 = tpu.vector_load %arg11[%get3A_488, %get3A_489, %get3A_490] {strides = array<i32>} : memref<2x64x128xf32, #tpu.memory_space<vmem>>, vector<16xf32>,
        %add3A_492 = arith.addf %bitcast3A_482, %get3A_491 : vector<16xf32>
        %get3A_493 = arith.constant 1 : i32
        %get3A_494 = arith.index_cast %get3A_493 : i32 to index
        %get3A_495 = arith.index_cast %scan3A_329 : i32 to index
        %get3A_496 = arith.constant 112 : index
        %get3A_497 = tpu.vector_load %arg11[%get3A_494, %get3A_495, %get3A_496] {strides = array<i32>} : memref<2x64x128xf32, #tpu.memory_space<vmem>>, vector<16xf32>,
        %add3A_498 = arith.addf %bitcast3A_486, %get3A_497 : vector<16xf32>
        %max3A_499 = arith.maximumf %add3A_492, %broadcast_in_dim3A_271 : vector<16xf32>
        %swap3A_500 = arith.constant 1 : i32
        %swap3A_501 = arith.index_cast %swap3A_500 : i32 to index
        %swap3A_502 = arith.index_cast %scan3A_329 : i32 to index
        %swap3A_503 = arith.constant 48 : index
        %swap3A_504 = tpu.vector_load %arg9[%swap3A_501, %swap3A_502, %swap3A_503] {strides = array<i32>} : memref<2x64x128xf32, #tpu.memory_space<vmem>>, vector<16xf32>,
        tpu.vector_store %arg9[%swap3A_501, %swap3A_502, %swap3A_503], %max3A_499 {strides = array<i32>} : memref<2x64x128xf32, #tpu.memory_space<vmem>>, vector<16xf32>,
        %max3A_505 = arith.maximumf %add3A_498, %broadcast_in_dim3A_271 : vector<16xf32>
        %swap3A_506 = arith.constant 1 : i32
        %swap3A_507 = arith.index_cast %swap3A_506 : i32 to index
        %swap3A_508 = arith.index_cast %scan3A_329 : i32 to index
        %swap3A_509 = arith.constant 112 : index
        %swap3A_510 = tpu.vector_load %arg9[%swap3A_507, %swap3A_508, %swap3A_509] {strides = array<i32>} : memref<2x64x128xf32, #tpu.memory_space<vmem>>, vector<16xf32>,
        tpu.vector_store %arg9[%swap3A_507, %swap3A_508, %swap3A_509], %max3A_505 {strides = array<i32>} : memref<2x64x128xf32, #tpu.memory_space<vmem>>, vector<16xf32>,
        %scan3A_511 = arith.constant 1 : i32
        %scan3A_512 = arith.addi %scan3A_329, %scan3A_511 : i32
        %get3A_513 = arith.constant 1 : i32
        %get3A_514 = arith.index_cast %get3A_513 : i32 to index
        %get3A_515 = arith.index_cast %scan3A_512 : i32 to index
        %get3A_516 = arith.constant 0 : index
        %get3A_517 = tpu.vector_load %arg9[%get3A_514, %get3A_515, %get3A_516] {strides = array<i32>} : memref<2x64x128xf32, #tpu.memory_space<vmem>>, vector<16xf32>,
        %bitcast3A_518 = vector.bitcast %get3A_517 : vector<16xf32> to vector<32xbf16>
        %get3A_519 = arith.constant 1 : i32
        %get3A_520 = arith.index_cast %get3A_519 : i32 to index
        %get3A_521 = arith.index_cast %scan3A_512 : i32 to index
        %get3A_522 = arith.constant 64 : index
        %get3A_523 = tpu.vector_load %arg10[%get3A_520, %get3A_521, %get3A_522] {strides = array<i32>} : memref<2x64x128xf32, #tpu.memory_space<vmem>>, vector<16xf32>,
        %bitcast3A_524 = vector.bitcast %get3A_523 : vector<16xf32> to vector<32xbf16>
        %add3A_525 = arith.addf %bitcast3A_518, %bitcast3A_524 : vector<32xbf16>
        %bitcast3A_526 = vector.bitcast %add3A_525 : vector<32xbf16> to vector<16xi32>
        %shift_left3A_527 = arith.constant 16 : i32
        %shift_left3A_528 = vector.broadcast %shift_left3A_527 : i32 to vector<16xi32>
        %shift_left3A_529 = arith.shli %bitcast3A_526, %shift_left3A_528 : vector<16xi32>
        %bitcast3A_530 = vector.bitcast %shift_left3A_529 : vector<16xi32> to vector<16xf32>
        %and3A_531 = arith.constant -65536 : i32
        %and3A_532 = vector.broadcast %and3A_531 : i32 to vector<16xi32>
        %and3A_533 = arith.andi %bitcast3A_526, %and3A_532 : vector<16xi32>
        %bitcast3A_534 = vector.bitcast %and3A_533 : vector<16xi32> to vector<16xf32>
        %get3A_535 = arith.constant 1 : i32
        %get3A_536 = arith.index_cast %get3A_535 : i32 to index
        %get3A_537 = arith.index_cast %scan3A_512 : i32 to index
        %get3A_538 = arith.constant 0 : index
        %get3A_539 = tpu.vector_load %arg11[%get3A_536, %get3A_537, %get3A_538] {strides = array<i32>} : memref<2x64x128xf32, #tpu.memory_space<vmem>>, vector<16xf32>,
        %add3A_540 = arith.addf %bitcast3A_530, %get3A_539 : vector<16xf32>
        %get3A_541 = arith.constant 1 : i32
        %get3A_542 = arith.index_cast %get3A_541 : i32 to index
        %get3A_543 = arith.index_cast %scan3A_512 : i32 to index
        %get3A_544 = arith.constant 64 : index
        %get3A_545 = tpu.vector_load %arg11[%get3A_542, %get3A_543, %get3A_544] {strides = array<i32>} : memref<2x64x128xf32, #tpu.memory_space<vmem>>, vector<16xf32>,
        %add3A_546 = arith.addf %bitcast3A_534, %get3A_545 : vector<16xf32>
        %max3A_547 = arith.maximumf %add3A_540, %broadcast_in_dim3A_271 : vector<16xf32>
        %swap3A_548 = arith.constant 1 : i32
        %swap3A_549 = arith.index_cast %swap3A_548 : i32 to index
        %swap3A_550 = arith.index_cast %scan3A_512 : i32 to index
        %swap3A_551 = arith.constant 0 : index
        %swap3A_552 = tpu.vector_load %arg9[%swap3A_549, %swap3A_550, %swap3A_551] {strides = array<i32>} : memref<2x64x128xf32, #tpu.memory_space<vmem>>, vector<16xf32>,
        tpu.vector_store %arg9[%swap3A_549, %swap3A_550, %swap3A_551], %max3A_547 {strides = array<i32>} : memref<2x64x128xf32, #tpu.memory_space<vmem>>, vector<16xf32>,
        %max3A_553 = arith.maximumf %add3A_546, %broadcast_in_dim3A_271 : vector<16xf32>
        %swap3A_554 = arith.constant 1 : i32
        %swap3A_555 = arith.index_cast %swap3A_554 : i32 to index
        %swap3A_556 = arith.index_cast %scan3A_512 : i32 to index
        %swap3A_557 = arith.constant 64 : index
        %swap3A_558 = tpu.vector_load %arg9[%swap3A_555, %swap3A_556, %swap3A_557] {strides = array<i32>} : memref<2x64x128xf32, #tpu.memory_space<vmem>>, vector<16xf32>,
        tpu.vector_store %arg9[%swap3A_555, %swap3A_556, %swap3A_557], %max3A_553 {strides = array<i32>} : memref<2x64x128xf32, #tpu.memory_space<vmem>>, vector<16xf32>,
        %get3A_559 = arith.constant 1 : i32
        %get3A_560 = arith.index_cast %get3A_559 : i32 to index
        %get3A_561 = arith.index_cast %scan3A_512 : i32 to index
        %get3A_562 = arith.constant 16 : index
        %get3A_563 = tpu.vector_load %arg9[%get3A_560, %get3A_561, %get3A_562] {strides = array<i32>} : memref<2x64x128xf32, #tpu.memory_space<vmem>>, vector<16xf32>,
        %bitcast3A_564 = vector.bitcast %get3A_563 : vector<16xf32> to vector<32xbf16>
        %get3A_565 = arith.constant 1 : i32
        %get3A_566 = arith.index_cast %get3A_565 : i32 to index
        %get3A_567 = arith.index_cast %scan3A_512 : i32 to index
        %get3A_568 = arith.constant 80 : index
        %get3A_569 = tpu.vector_load %arg10[%get3A_566, %get3A_567, %get3A_568] {strides = array<i32>} : memref<2x64x128xf32, #tpu.memory_space<vmem>>, vector<16xf32>,
        %bitcast3A_570 = vector.bitcast %get3A_569 : vector<16xf32> to vector<32xbf16>
        %add3A_571 = arith.addf %bitcast3A_564, %bitcast3A_570 : vector<32xbf16>
        %bitcast3A_572 = vector.bitcast %add3A_571 : vector<32xbf16> to vector<16xi32>
        %shift_left3A_573 = arith.constant 16 : i32
        %shift_left3A_574 = vector.broadcast %shift_left3A_573 : i32 to vector<16xi32>
        %shift_left3A_575 = arith.shli %bitcast3A_572, %shift_left3A_574 : vector<16xi32>
        %bitcast3A_576 = vector.bitcast %shift_left3A_575 : vector<16xi32> to vector<16xf32>
        %and3A_577 = arith.constant -65536 : i32
        %and3A_578 = vector.broadcast %and3A_577 : i32 to vector<16xi32>
        %and3A_579 = arith.andi %bitcast3A_572, %and3A_578 : vector<16xi32>
        %bitcast3A_580 = vector.bitcast %and3A_579 : vector<16xi32> to vector<16xf32>
        %get3A_581 = arith.constant 1 : i32
        %get3A_582 = arith.index_cast %get3A_581 : i32 to index
        %get3A_583 = arith.index_cast %scan3A_512 : i32 to index
        %get3A_584 = arith.constant 16 : index
        %get3A_585 = tpu.vector_load %arg11[%get3A_582, %get3A_583, %get3A_584] {strides = array<i32>} : memref<2x64x128xf32, #tpu.memory_space<vmem>>, vector<16xf32>,
        %add3A_586 = arith.addf %bitcast3A_576, %get3A_585 : vector<16xf32>
        %get3A_587 = arith.constant 1 : i32
        %get3A_588 = arith.index_cast %get3A_587 : i32 to index
        %get3A_589 = arith.index_cast %scan3A_512 : i32 to index
        %get3A_590 = arith.constant 80 : index
        %get3A_591 = tpu.vector_load %arg11[%get3A_588, %get3A_589, %get3A_590] {strides = array<i32>} : memref<2x64x128xf32, #tpu.memory_space<vmem>>, vector<16xf32>,
        %add3A_592 = arith.addf %bitcast3A_580, %get3A_591 : vector<16xf32>
        %max3A_593 = arith.maximumf %add3A_586, %broadcast_in_dim3A_271 : vector<16xf32>
        %swap3A_594 = arith.constant 1 : i32
        %swap3A_595 = arith.index_cast %swap3A_594 : i32 to index
        %swap3A_596 = arith.index_cast %scan3A_512 : i32 to index
        %swap3A_597 = arith.constant 16 : index
        %swap3A_598 = tpu.vector_load %arg9[%swap3A_595, %swap3A_596, %swap3A_597] {strides = array<i32>} : memref<2x64x128xf32, #tpu.memory_space<vmem>>, vector<16xf32>,
        tpu.vector_store %arg9[%swap3A_595, %swap3A_596, %swap3A_597], %max3A_593 {strides = array<i32>} : memref<2x64x128xf32, #tpu.memory_space<vmem>>, vector<16xf32>,
        %max3A_599 = arith.maximumf %add3A_592, %broadcast_in_dim3A_271 : vector<16xf32>
        %swap3A_600 = arith.constant 1 : i32
        %swap3A_601 = arith.index_cast %swap3A_600 : i32 to index
        %swap3A_602 = arith.index_cast %scan3A_512 : i32 to index
        %swap3A_603 = arith.constant 80 : index
        %swap3A_604 = tpu.vector_load %arg9[%swap3A_601, %swap3A_602, %swap3A_603] {strides = array<i32>} : memref<2x64x128xf32, #tpu.memory_space<vmem>>, vector<16xf32>,
        tpu.vector_store %arg9[%swap3A_601, %swap3A_602, %swap3A_603], %max3A_599 {strides = array<i32>} : memref<2x64x128xf32, #tpu.memory_space<vmem>>, vector<16xf32>,
        %get3A_605 = arith.constant 1 : i32
        %get3A_606 = arith.index_cast %get3A_605 : i32 to index
        %get3A_607 = arith.index_cast %scan3A_512 : i32 to index
        %get3A_608 = arith.constant 32 : index
        %get3A_609 = tpu.vector_load %arg9[%get3A_606, %get3A_607, %get3A_608] {strides = array<i32>} : memref<2x64x128xf32, #tpu.memory_space<vmem>>, vector<16xf32>,
        %bitcast3A_610 = vector.bitcast %get3A_609 : vector<16xf32> to vector<32xbf16>
        %get3A_611 = arith.constant 1 : i32
        %get3A_612 = arith.index_cast %get3A_611 : i32 to index
        %get3A_613 = arith.index_cast %scan3A_512 : i32 to index
        %get3A_614 = arith.constant 96 : index
        %get3A_615 = tpu.vector_load %arg10[%get3A_612, %get3A_613, %get3A_614] {strides = array<i32>} : memref<2x64x128xf32, #tpu.memory_space<vmem>>, vector<16xf32>,
        %bitcast3A_616 = vector.bitcast %get3A_615 : vector<16xf32> to vector<32xbf16>
        %add3A_617 = arith.addf %bitcast3A_610, %bitcast3A_616 : vector<32xbf16>
        %bitcast3A_618 = vector.bitcast %add3A_617 : vector<32xbf16> to vector<16xi32>
        %shift_left3A_619 = arith.constant 16 : i32
        %shift_left3A_620 = vector.broadcast %shift_left3A_619 : i32 to vector<16xi32>
        %shift_left3A_621 = arith.shli %bitcast3A_618, %shift_left3A_620 : vector<16xi32>
        %bitcast3A_622 = vector.bitcast %shift_left3A_621 : vector<16xi32> to vector<16xf32>
        %and3A_623 = arith.constant -65536 : i32
        %and3A_624 = vector.broadcast %and3A_623 : i32 to vector<16xi32>
        %and3A_625 = arith.andi %bitcast3A_618, %and3A_624 : vector<16xi32>
        %bitcast3A_626 = vector.bitcast %and3A_625 : vector<16xi32> to vector<16xf32>
        %get3A_627 = arith.constant 1 : i32
        %get3A_628 = arith.index_cast %get3A_627 : i32 to index
        %get3A_629 = arith.index_cast %scan3A_512 : i32 to index
        %get3A_630 = arith.constant 32 : index
        %get3A_631 = tpu.vector_load %arg11[%get3A_628, %get3A_629, %get3A_630] {strides = array<i32>} : memref<2x64x128xf32, #tpu.memory_space<vmem>>, vector<16xf32>,
        %add3A_632 = arith.addf %bitcast3A_622, %get3A_631 : vector<16xf32>
        %get3A_633 = arith.constant 1 : i32
        %get3A_634 = arith.index_cast %get3A_633 : i32 to index
        %get3A_635 = arith.index_cast %scan3A_512 : i32 to index
        %get3A_636 = arith.constant 96 : index
        %get3A_637 = tpu.vector_load %arg11[%get3A_634, %get3A_635, %get3A_636] {strides = array<i32>} : memref<2x64x128xf32, #tpu.memory_space<vmem>>, vector<16xf32>,
        %add3A_638 = arith.addf %bitcast3A_626, %get3A_637 : vector<16xf32>
        %max3A_639 = arith.maximumf %add3A_632, %broadcast_in_dim3A_271 : vector<16xf32>
        %swap3A_640 = arith.constant 1 : i32
        %swap3A_641 = arith.index_cast %swap3A_640 : i32 to index
        %swap3A_642 = arith.index_cast %scan3A_512 : i32 to index
        %swap3A_643 = arith.constant 32 : index
        %swap3A_644 = tpu.vector_load %arg9[%swap3A_641, %swap3A_642, %swap3A_643] {strides = array<i32>} : memref<2x64x128xf32, #tpu.memory_space<vmem>>, vector<16xf32>,
        tpu.vector_store %arg9[%swap3A_641, %swap3A_642, %swap3A_643], %max3A_639 {strides = array<i32>} : memref<2x64x128xf32, #tpu.memory_space<vmem>>, vector<16xf32>,
        %max3A_645 = arith.maximumf %add3A_638, %broadcast_in_dim3A_271 : vector<16xf32>
        %swap3A_646 = arith.constant 1 : i32
        %swap3A_647 = arith.index_cast %swap3A_646 : i32 to index
        %swap3A_648 = arith.index_cast %scan3A_512 : i32 to index
        %swap3A_649 = arith.constant 96 : index
        %swap3A_650 = tpu.vector_load %arg9[%swap3A_647, %swap3A_648, %swap3A_649] {strides = array<i32>} : memref<2x64x128xf32, #tpu.memory_space<vmem>>, vector<16xf32>,
        tpu.vector_store %arg9[%swap3A_647, %swap3A_648, %swap3A_649], %max3A_645 {strides = array<i32>} : memref<2x64x128xf32, #tpu.memory_space<vmem>>, vector<16xf32>,
        %get3A_651 = arith.constant 1 : i32
        %get3A_652 = arith.index_cast %get3A_651 : i32 to index
        %get3A_653 = arith.index_cast %scan3A_512 : i32 to index
        %get3A_654 = arith.constant 48 : index
        %get3A_655 = tpu.vector_load %arg9[%get3A_652, %get3A_653, %get3A_654] {strides = array<i32>} : memref<2x64x128xf32, #tpu.memory_space<vmem>>, vector<16xf32>,
        %bitcast3A_656 = vector.bitcast %get3A_655 : vector<16xf32> to vector<32xbf16>
        %get3A_657 = arith.constant 1 : i32
        %get3A_658 = arith.index_cast %get3A_657 : i32 to index
        %get3A_659 = arith.index_cast %scan3A_512 : i32 to index
        %get3A_660 = arith.constant 112 : index
        %get3A_661 = tpu.vector_load %arg10[%get3A_658, %get3A_659, %get3A_660] {strides = array<i32>} : memref<2x64x128xf32, #tpu.memory_space<vmem>>, vector<16xf32>,
        %bitcast3A_662 = vector.bitcast %get3A_661 : vector<16xf32> to vector<32xbf16>
        %add3A_663 = arith.addf %bitcast3A_656, %bitcast3A_662 : vector<32xbf16>
        %bitcast3A_664 = vector.bitcast %add3A_663 : vector<32xbf16> to vector<16xi32>
        %shift_left3A_665 = arith.constant 16 : i32
        %shift_left3A_666 = vector.broadcast %shift_left3A_665 : i32 to vector<16xi32>
        %shift_left3A_667 = arith.shli %bitcast3A_664, %shift_left3A_666 : vector<16xi32>
        %bitcast3A_668 = vector.bitcast %shift_left3A_667 : vector<16xi32> to vector<16xf32>
        %and3A_669 = arith.constant -65536 : i32
        %and3A_670 = vector.broadcast %and3A_669 : i32 to vector<16xi32>
        %and3A_671 = arith.andi %bitcast3A_664, %and3A_670 : vector<16xi32>
        %bitcast3A_672 = vector.bitcast %and3A_671 : vector<16xi32> to vector<16xf32>
        %get3A_673 = arith.constant 1 : i32
        %get3A_674 = arith.index_cast %get3A_673 : i32 to index
        %get3A_675 = arith.index_cast %scan3A_512 : i32 to index
        %get3A_676 = arith.constant 48 : index
        %get3A_677 = tpu.vector_load %arg11[%get3A_674, %get3A_675, %get3A_676] {strides = array<i32>} : memref<2x64x128xf32, #tpu.memory_space<vmem>>, vector<16xf32>,
        %add3A_678 = arith.addf %bitcast3A_668, %get3A_677 : vector<16xf32>
        %get3A_679 = arith.constant 1 : i32
        %get3A_680 = arith.index_cast %get3A_679 : i32 to index
        %get3A_681 = arith.index_cast %scan3A_512 : i32 to index
        %get3A_682 = arith.constant 112 : index
        %get3A_683 = tpu.vector_load %arg11[%get3A_680, %get3A_681, %get3A_682] {strides = array<i32>} : memref<2x64x128xf32, #tpu.memory_space<vmem>>, vector<16xf32>,
        %add3A_684 = arith.addf %bitcast3A_672, %get3A_683 : vector<16xf32>
        %max3A_685 = arith.maximumf %add3A_678, %broadcast_in_dim3A_271 : vector<16xf32>
        %swap3A_686 = arith.constant 1 : i32
        %swap3A_687 = arith.index_cast %swap3A_686 : i32 to index
        %swap3A_688 = arith.index_cast %scan3A_512 : i32 to index
        %swap3A_689 = arith.constant 48 : index
        %swap3A_690 = tpu.vector_load %arg9[%swap3A_687, %swap3A_688, %swap3A_689] {strides = array<i32>} : memref<2x64x128xf32, #tpu.memory_space<vmem>>, vector<16xf32>,
        tpu.vector_store %arg9[%swap3A_687, %swap3A_688, %swap3A_689], %max3A_685 {strides = array<i32>} : memref<2x64x128xf32, #tpu.memory_space<vmem>>, vector<16xf32>,
        %max3A_691 = arith.maximumf %add3A_684, %broadcast_in_dim3A_271 : vector<16xf32>
        %swap3A_692 = arith.constant 1 : i32
        %swap3A_693 = arith.index_cast %swap3A_692 : i32 to index
        %swap3A_694 = arith.index_cast %scan3A_512 : i32 to index
        %swap3A_695 = arith.constant 112 : index
        %swap3A_696 = tpu.vector_load %arg9[%swap3A_693, %swap3A_694, %swap3A_695] {strides = array<i32>} : memref<2x64x128xf32, #tpu.memory_space<vmem>>, vector<16xf32>,
        tpu.vector_store %arg9[%swap3A_693, %swap3A_694, %swap3A_695], %max3A_691 {strides = array<i32>} : memref<2x64x128xf32, #tpu.memory_space<vmem>>, vector<16xf32>,
      }
      %scan3A_277 = arith.constant 64 : i32
      %get3A_278 = arith.constant 1 : i32
      %get3A_279 = arith.index_cast %get3A_278 : i32 to index
      %get3A_280 = arith.constant 64 : index
      %get3A_281 = tpu.vector_load %arg7[%get3A_279, %get3A_280] {strides = array<i32>} : memref<2x128xi32, #tpu.memory_space<vmem>>, vector<16xi32>,
      %swap3A_282 = arith.constant 1 : i32
      %swap3A_283 = arith.index_cast %swap3A_282 : i32 to index
      %swap3A_284 = arith.constant 0 : index
      %swap3A_285 = tpu.vector_load %arg8[%swap3A_283, %swap3A_284] {strides = array<i32>} : memref<2x64xi32, #tpu.memory_space<vmem>>, vector<16xi32>,
      tpu.vector_store %arg8[%swap3A_283, %swap3A_284], %get3A_281 {strides = array<i32>} : memref<2x64xi32, #tpu.memory_space<vmem>>, vector<16xi32>,
      %get3A_286 = arith.constant 1 : i32
      %get3A_287 = arith.index_cast %get3A_286 : i32 to index
      %get3A_288 = arith.constant 80 : index
      %get3A_289 = tpu.vector_load %arg7[%get3A_287, %get3A_288] {strides = array<i32>} : memref<2x128xi32, #tpu.memory_space<vmem>>, vector<16xi32>,
      %swap3A_290 = arith.constant 1 : i32
      %swap3A_291 = arith.index_cast %swap3A_290 : i32 to index
      %swap3A_292 = arith.constant 16 : index
      %swap3A_293 = tpu.vector_load %arg8[%swap3A_291, %swap3A_292] {strides = array<i32>} : memref<2x64xi32, #tpu.memory_space<vmem>>, vector<16xi32>,
      tpu.vector_store %arg8[%swap3A_291, %swap3A_292], %get3A_289 {strides = array<i32>} : memref<2x64xi32, #tpu.memory_space<vmem>>, vector<16xi32>,
      %get3A_294 = arith.constant 1 : i32
      %get3A_295 = arith.index_cast %get3A_294 : i32 to index
      %get3A_296 = arith.constant 96 : index
      %get3A_297 = tpu.vector_load %arg7[%get3A_295, %get3A_296] {strides = array<i32>} : memref<2x128xi32, #tpu.memory_space<vmem>>, vector<16xi32>,
      %swap3A_298 = arith.constant 1 : i32
      %swap3A_299 = arith.index_cast %swap3A_298 : i32 to index
      %swap3A_300 = arith.constant 32 : index
      %swap3A_301 = tpu.vector_load %arg8[%swap3A_299, %swap3A_300] {strides = array<i32>} : memref<2x64xi32, #tpu.memory_space<vmem>>, vector<16xi32>,
      tpu.vector_store %arg8[%swap3A_299, %swap3A_300], %get3A_297 {strides = array<i32>} : memref<2x64xi32, #tpu.memory_space<vmem>>, vector<16xi32>,
      %get3A_302 = arith.constant 1 : i32
      %get3A_303 = arith.index_cast %get3A_302 : i32 to index
      %get3A_304 = arith.constant 112 : index
      %get3A_305 = tpu.vector_load %arg7[%get3A_303, %get3A_304] {strides = array<i32>} : memref<2x128xi32, #tpu.memory_space<vmem>>, vector<16xi32>,
      %swap3A_306 = arith.constant 1 : i32
      %swap3A_307 = arith.index_cast %swap3A_306 : i32 to index
      %swap3A_308 = arith.constant 48 : index
      %swap3A_309 = tpu.vector_load %arg8[%swap3A_307, %swap3A_308] {strides = array<i32>} : memref<2x64xi32, #tpu.memory_space<vmem>>, vector<16xi32>,
      tpu.vector_store %arg8[%swap3A_307, %swap3A_308], %get3A_305 {strides = array<i32>} : memref<2x64xi32, #tpu.memory_space<vmem>>, vector<16xi32>,
      %dma_start3A_310 = arith.constant 1 : i32
      %dma_start3A_311 = arith.constant 1 : i32
      %dma_start3A_312 = arith.constant 0 : i32
      %dma_start3A_313 = arith.constant 0 : i32
      %dma_start3A_314 = tpu.memref_slice %arg9[%dma_start3A_310, %dma_start3A_312, %dma_start3A_313] : memref<2x64x128xf32, #tpu.memory_space<vmem>> -> memref<1x64x128xf32, #tpu.memory_space<vmem>>
      %dma_start3A_315 = tpu.memref_squeeze %dma_start3A_314 : memref<1x64x128xf32, #tpu.memory_space<vmem>> -> memref<64x128xf32, #tpu.memory_space<vmem>>
      %dma_start3A_316 = arith.constant 0 : i32
      %dma_start3A_317 = tpu.memref_slice %arg8[%dma_start3A_311, %dma_start3A_316] : memref<2x64xi32, #tpu.memory_space<vmem>> -> memref<1x64xi32, #tpu.memory_space<vmem>>
      %dma_start3A_318 = tpu.memref_squeeze %dma_start3A_317 : memref<1x64xi32, #tpu.memory_space<vmem>> -> memref<64xi32, #tpu.memory_space<vmem>>
      %dma_start3A_319 = arith.constant 0 : i32
      %dma_start3A_320 = arith.constant 0 : i32
      %dma_start3A_321 = tpu.memref_slice %arg12[%dma_start3A_319, %dma_start3A_320] : memref<10112x128xf32, #tpu.memory_space<vmem_shared>> -> memref<10112x128xf32, #tpu.memory_space<vmem_shared>>
      tpu.enqueue_indirect_dma source(%dma_start3A_315 : memref<64x128xf32, #tpu.memory_space<vmem>>) target(%dma_start3A_321 : memref<10112x128xf32, #tpu.memory_space<vmem_shared>>) offsets(%dma_start3A_318 : memref<64xi32, #tpu.memory_space<vmem>>) semaphore(%arg18 : memref<!tpu.dma_semaphore, #tpu.memory_space<semaphore_mem>>) {add = true}
      %add3A_322 = arith.constant 2 : i32
      %add3A_323 = arith.addi %add3A_213, %add3A_322 : i32
      %lt3A_324 = arith.constant 158 : i32
      %lt3A_325 = arith.cmpi slt, %add3A_323, %lt3A_324 : i32
      %convert_element_type3A_326 = arith.extui %lt3A_325 : i1 to i32
      %cond3A_327 = arith.constant 0 : i32
      %cond3A_328 = arith.cmpi ne, %convert_element_type3A_326, %cond3A_327 : i32
      scf.if %cond3A_328 {
        %add3A_329 = arith.constant 2 : i32
        %add3A_330 = arith.addi %add3A_213, %add3A_329 : i32
        %mul3A_331 = arith.constant 158 : i32
        %mul3A_332 = arith.muli %add3A, %mul3A_331 : i32
        %add3A_333 = arith.addi %mul3A_332, %add3A_330 : i32
        %dma_start3A_334 = arith.constant 1 : i32
        %dma_start3A_335 = arith.constant 0 : i32
        %dma_start3A_336 = tpu.memref_slice %arg7[%dma_start3A_334, %dma_start3A_335] : memref<2x128xi32, #tpu.memory_space<vmem>> -> memref<1x128xi32, #tpu.memory_space<vmem>>
        %dma_start3A_337 = tpu.memref_squeeze %dma_start3A_336 : memref<1x128xi32, #tpu.memory_space<vmem>> -> memref<128xi32, #tpu.memory_space<vmem>>
        %dma_start3A_338 = arith.constant 0 : i32
        %dma_start3A_339 = tpu.memref_slice %arg2[%add3A_333, %dma_start3A_338] : memref<5056x128xi32, #tpu.memory_space<hbm>> -> memref<1x128xi32, #tpu.memory_space<hbm>>
        %dma_start3A_340 = tpu.memref_squeeze %dma_start3A_339 : memref<1x128xi32, #tpu.memory_space<hbm>> -> memref<128xi32, #tpu.memory_space<hbm>>
        %dma_start3A_341 = arith.constant 0 : i32
        %dma_start3A_342 = tpu.memref_slice %arg7[%dma_start3A_334, %dma_start3A_341] : memref<2x128xi32, #tpu.memory_space<vmem>> -> memref<1x128xi32, #tpu.memory_space<vmem>>
        %dma_start3A_343 = tpu.memref_squeeze %dma_start3A_342 : memref<1x128xi32, #tpu.memory_space<vmem>> -> memref<128xi32, #tpu.memory_space<vmem>>
        %dma_start3A_344 = arith.constant 0 : i32
        %dma_start3A_345 = tpu.memref_slice %arg2[%add3A_333, %dma_start3A_344] : memref<5056x128xi32, #tpu.memory_space<hbm>> -> memref<1x128xi32, #tpu.memory_space<hbm>>
        %dma_start3A_346 = tpu.memref_squeeze %dma_start3A_345 : memref<1x128xi32, #tpu.memory_space<hbm>> -> memref<128xi32, #tpu.memory_space<hbm>>
        tpu.enqueue_dma source(%dma_start3A_346 : memref<128xi32, #tpu.memory_space<hbm>>) target(%dma_start3A_343 : memref<128xi32, #tpu.memory_space<vmem>>) target_semaphore(%arg16 : memref<!tpu.dma_semaphore, #tpu.memory_space<semaphore_mem>>)
      } else {
      }
    }
    %scan3A_70 = arith.constant 79 : i32
    %dma_wait3A = arith.constant 0 : i32
    %dma_wait3A_71 = arith.constant 0 : i32
    %dma_wait3A_72 = arith.constant 0 : i32
    %dma_wait3A_73 = arith.constant 0 : i32
    %dma_wait3A_74 = tpu.memref_slice %arg9[%dma_wait3A, %dma_wait3A_72, %dma_wait3A_73] : memref<2x64x128xf32, #tpu.memory_space<vmem>> -> memref<1x64x128xf32, #tpu.memory_space<vmem>>
    %dma_wait3A_75 = tpu.memref_squeeze %dma_wait3A_74 : memref<1x64x128xf32, #tpu.memory_space<vmem>> -> memref<64x128xf32, #tpu.memory_space<vmem>>
    %dma_wait3A_76 = arith.constant 0 : i32
    %dma_wait3A_77 = tpu.memref_slice %arg8[%dma_wait3A_71, %dma_wait3A_76] : memref<2x64xi32, #tpu.memory_space<vmem>> -> memref<1x64xi32, #tpu.memory_space<vmem>>
    %dma_wait3A_78 = tpu.memref_squeeze %dma_wait3A_77 : memref<1x64xi32, #tpu.memory_space<vmem>> -> memref<64xi32, #tpu.memory_space<vmem>>
    %dma_wait3A_79 = arith.constant 0 : i32
    %dma_wait3A_80 = arith.constant 0 : i32
    %dma_wait3A_81 = tpu.memref_slice %arg12[%dma_wait3A_79, %dma_wait3A_80] : memref<10112x128xf32, #tpu.memory_space<vmem_shared>> -> memref<10112x128xf32, #tpu.memory_space<vmem_shared>>
    tpu.wait_indirect_dma semaphore(%arg17 : memref<!tpu.dma_semaphore, #tpu.memory_space<semaphore_mem>>) src(%dma_wait3A_75 : memref<64x128xf32, #tpu.memory_space<vmem>>) dst(%dma_wait3A_81 : memref<10112x128xf32, #tpu.memory_space<vmem_shared>>)
    %dma_wait3A_82 = arith.constant 1 : i32
    %dma_wait3A_83 = arith.constant 1 : i32
    %dma_wait3A_84 = arith.constant 0 : i32
    %dma_wait3A_85 = arith.constant 0 : i32
    %dma_wait3A_86 = tpu.memref_slice %arg9[%dma_wait3A_82, %dma_wait3A_84, %dma_wait3A_85] : memref<2x64x128xf32, #tpu.memory_space<vmem>> -> memref<1x64x128xf32, #tpu.memory_space<vmem>>
    %dma_wait3A_87 = tpu.memref_squeeze %dma_wait3A_86 : memref<1x64x128xf32, #tpu.memory_space<vmem>> -> memref<64x128xf32, #tpu.memory_space<vmem>>
    %dma_wait3A_88 = arith.constant 0 : i32
    %dma_wait3A_89 = tpu.memref_slice %arg8[%dma_wait3A_83, %dma_wait3A_88] : memref<2x64xi32, #tpu.memory_space<vmem>> -> memref<1x64xi32, #tpu.memory_space<vmem>>
    %dma_wait3A_90 = tpu.memref_squeeze %dma_wait3A_89 : memref<1x64xi32, #tpu.memory_space<vmem>> -> memref<64xi32, #tpu.memory_space<vmem>>
    %dma_wait3A_91 = arith.constant 0 : i32
    %dma_wait3A_92 = arith.constant 0 : i32
    %dma_wait3A_93 = tpu.memref_slice %arg12[%dma_wait3A_91, %dma_wait3A_92] : memref<10112x128xf32, #tpu.memory_space<vmem_shared>> -> memref<10112x128xf32, #tpu.memory_space<vmem_shared>>
    tpu.wait_indirect_dma semaphore(%arg18 : memref<!tpu.dma_semaphore, #tpu.memory_space<semaphore_mem>>) src(%dma_wait3A_87 : memref<64x128xf32, #tpu.memory_space<vmem>>) dst(%dma_wait3A_93 : memref<10112x128xf32, #tpu.memory_space<vmem_shared>>)
    %barrier3A = arith.constant 0 : index
    tpu.barrier barrier_id(%barrier3A)
    %mul3A_94 = arith.constant 632 : i32
    %mul3A_95 = arith.muli %arg1, %mul3A_94 : i32
    %mul3A_96 = arith.constant 632 : i32
    %mul3A_97 = arith.muli %arg1, %mul3A_96 : i32
    "tpu.region"() ({
      %run_scoped3A_98 = tpu.sem_alloc : memref<!tpu.dma_semaphore, #tpu.memory_space<semaphore_mem>>
      %dma_start3A_99 = arith.constant 0 : i32
      %dma_start3A_100 = tpu.memref_slice %arg6[%arg0, %mul3A_97, %dma_start3A_99] : memref<2x10112x128xf32, #tpu.memory_space<hbm>> -> memref<1x632x128xf32, #tpu.memory_space<hbm>>
      %dma_start3A_101 = tpu.memref_squeeze %dma_start3A_100 : memref<1x632x128xf32, #tpu.memory_space<hbm>> -> memref<632x128xf32, #tpu.memory_space<hbm>>
      %dma_start3A_102 = arith.constant 0 : i32
      %dma_start3A_103 = tpu.memref_slice %arg12[%mul3A_95, %dma_start3A_102] : memref<10112x128xf32, #tpu.memory_space<vmem_shared>> -> memref<632x128xf32, #tpu.memory_space<vmem_shared>>
      tpu.enqueue_dma source(%dma_start3A_103 : memref<632x128xf32, #tpu.memory_space<vmem_shared>>) target(%dma_start3A_101 : memref<632x128xf32, #tpu.memory_space<hbm>>) target_semaphore(%run_scoped3A_98 : memref<!tpu.dma_semaphore, #tpu.memory_space<semaphore_mem>>)
      %dma_wait3A_104 = arith.constant 0 : i32
      %dma_wait3A_105 = tpu.memref_slice %arg6[%arg0, %mul3A_97, %dma_wait3A_104] : memref<2x10112x128xf32, #tpu.memory_space<hbm>> -> memref<1x632x128xf32, #tpu.memory_space<hbm>>
      %dma_wait3A_106 = tpu.memref_squeeze %dma_wait3A_105 : memref<1x632x128xf32, #tpu.memory_space<hbm>> -> memref<632x128xf32, #tpu.memory_space<hbm>>
      %dma_wait3A_107 = arith.constant 0 : i32
      %dma_wait3A_108 = tpu.memref_slice %arg12[%mul3A_95, %dma_wait3A_107] : memref<10112x128xf32, #tpu.memory_space<vmem_shared>> -> memref<632x128xf32, #tpu.memory_space<vmem_shared>>
      tpu.wait_dma2 semaphore(%run_scoped3A_98 : memref<!tpu.dma_semaphore, #tpu.memory_space<semaphore_mem>>) src(%dma_wait3A_108 : memref<632x128xf32, #tpu.memory_space<vmem_shared>>) dst(%dma_wait3A_106 : memref<632x128xf32, #tpu.memory_space<hbm>>)
      tpu.yield
    }) : () -> ()
    return
  }
}

module attributes {stable_mosaic.version = 14 : i64} {
  func.func @_eproj_body(%arg0: i32, %arg1: memref<4096x4xf32, #tpu.memory_space<vmem>>, %arg2: memref<4x128xf32, #tpu.memory_space<vmem>>, %arg3: memref<4096x128xf32, #tpu.memory_space<vmem>>) attributes {dimension_semantics = [#tpu.dimension_semantics<arbitrary>], iteration_bounds = array<i64: 79>, scalar_prefetch = 0 : i64, scratch_operands = 0 : i64, tpu.core_type = #tpu.core_type<tc>, window_params = [{transform_indices = @transform_0, window_bounds = array<i64: 4096, 4>}, {pipeline_mode = #tpu.pipeline_mode<synchronous>, transform_indices = @transform_1, window_bounds = array<i64: 4, 128>}, {transform_indices = @transform_2, window_bounds = array<i64: 4096, 128>}]} {
    %get3A = arith.constant 0 : index
    %get3A_0 = arith.constant 0 : index
    %get3A_1 = vector.load %arg1[%get3A, %get3A_0] : memref<4096x4xf32, #tpu.memory_space<vmem>>, vector<4096x4xf32>
    %get3A_2 = arith.constant 0 : index
    %get3A_3 = arith.constant 0 : index
    %get3A_4 = vector.load %arg2[%get3A_2, %get3A_3] : memref<4x128xf32, #tpu.memory_space<vmem>>, vector<4x128xf32>
    %dot_general3A = arith.constant dense<0.000000e+00> : vector<4096x128xf32>
    %dot_general3A_5 = tpu.matmul %get3A_1, %get3A_4, %dot_general3A {dimension_numbers = #tpu.dot_dimension_numbers<[1], [0], [0], [1], [0, 0, 1, 1], [], []>, transpose_lhs_hint = false} : vector<4096x4xf32>, vector<4x128xf32>, vector<4096x128xf32> -> vector<4096x128xf32>
    %swap3A = arith.constant 0 : index
    %swap3A_6 = arith.constant 0 : index
    %swap3A_7 = vector.load %arg3[%swap3A, %swap3A_6] : memref<4096x128xf32, #tpu.memory_space<vmem>>, vector<4096x128xf32>
    tpu.vector_store %arg3[%swap3A, %swap3A_6], %dot_general3A_5 {strides = array<i32>} : memref<4096x128xf32, #tpu.memory_space<vmem>>, vector<4096x128xf32>,
    return
  }
  func.func @transform_0(%arg0: i32) -> (i32, i32) {
    %min3A = arith.constant 78 : i32
    %min3A_0 = arith.minsi %arg0, %min3A : i32
    %c0_i32 = arith.constant 0 : i32
    %c0_i32_1 = arith.constant 0 : i32
    return %min3A_0, %c0_i32 : i32, i32
  }
  func.func @transform_1(%arg0: i32) -> (i32, i32) {
    %c0_i32 = arith.constant 0 : i32
    %c0_i32_0 = arith.constant 0 : i32
    %c0_i32_1 = arith.constant 0 : i32
    return %c0_i32, %c0_i32_0 : i32, i32
  }
  func.func @transform_2(%arg0: i32) -> (i32, i32) {
    %c0_i32 = arith.constant 0 : i32
    %c0_i32_0 = arith.constant 0 : i32
    return %arg0, %c0_i32 : i32, i32
  }
}

module attributes {stable_mosaic.version = 14 : i64} {
  func.func @_proj_body(%arg0: memref<10000x128xf32, #tpu.memory_space<vmem>>, %arg1: memref<128x256xf32, #tpu.memory_space<vmem>>, %arg2: memref<1x128xf32, #tpu.memory_space<vmem>>, %arg3: memref<10008x128xf32, #tpu.memory_space<vmem>>) attributes {dimension_semantics = [], scalar_prefetch = 0 : i64, scratch_operands = 0 : i64, tpu.core_type = #tpu.core_type<tc>} {
    %get3A = arith.constant 0 : index
    %get3A_0 = arith.constant 0 : index
    %get3A_1 = vector.load %arg0[%get3A, %get3A_0] : memref<10000x128xf32, #tpu.memory_space<vmem>>, vector<10000x128xf32>
    %get3A_2 = arith.constant 0 : index
    %get3A_3 = arith.constant 0 : index
    %get3A_4 = vector.load %arg1[%get3A_2, %get3A_3] : memref<128x256xf32, #tpu.memory_space<vmem>>, vector<128x256xf32>
    %dot_general3A = arith.constant dense<0.000000e+00> : vector<10000x256xf32>
    %dot_general3A_5 = tpu.matmul %get3A_1, %get3A_4, %dot_general3A {dimension_numbers = #tpu.dot_dimension_numbers<[1], [0], [0], [1], [0, 0, 1, 1], [], []>, transpose_lhs_hint = false} : vector<10000x128xf32>, vector<128x256xf32>, vector<10000x256xf32> -> vector<10000x256xf32>
    %slice3A = vector.extract_strided_slice %dot_general3A_5 {offsets = [0, 0], sizes = [10000, 128], strides = [1, 1]} : vector<10000x256xf32> to vector<10000x128xf32>
    %convert_element_type3A = arith.truncf %slice3A : vector<10000x128xf32> to vector<10000x128xbf16>
    %convert_element_type3A_6 = arith.extf %convert_element_type3A : vector<10000x128xbf16> to vector<10000x128xf32>
    %bitcast_convert_type3A = tpu.bitcast %convert_element_type3A_6 : vector<10000x128xf32> -> vector<10000x128xi32>
    %slice3A_7 = vector.extract_strided_slice %bitcast_convert_type3A {offsets = [0, 0], sizes = [10000, 64], strides = [1, 1]} : vector<10000x128xi32> to vector<10000x64xi32>
    %shift_right_logical3A = arith.constant 16 : i32
    %shift_right_logical3A_8 = vector.broadcast %shift_right_logical3A : i32 to vector<10000x64xi32>
    %shift_right_logical3A_9 = arith.shrui %slice3A_7, %shift_right_logical3A_8 : vector<10000x64xi32>
    %slice3A_10 = vector.extract_strided_slice %bitcast_convert_type3A {offsets = [0, 64], sizes = [10000, 64], strides = [1, 1]} : vector<10000x128xi32> to vector<10000x64xi32>
    %and3A = arith.constant -65536 : i32
    %and3A_11 = vector.broadcast %and3A : i32 to vector<10000x64xi32>
    %and3A_12 = arith.andi %slice3A_10, %and3A_11 : vector<10000x64xi32>
    %or3A = arith.ori %shift_right_logical3A_9, %and3A_12 : vector<10000x64xi32>
    %bitcast_convert_type3A_13 = tpu.bitcast %or3A : vector<10000x64xi32> -> vector<10000x64xi32>
    %slice3A_14 = vector.extract_strided_slice %dot_general3A_5 {offsets = [0, 128], sizes = [10000, 128], strides = [1, 1]} : vector<10000x256xf32> to vector<10000x128xf32>
    %get3A_15 = arith.constant 0 : index
    %get3A_16 = arith.constant 0 : index
    %get3A_17 = vector.load %arg2[%get3A_15, %get3A_16] : memref<1x128xf32, #tpu.memory_space<vmem>>, vector<1x128xf32>
    %add3A = vector.broadcast %get3A_17 : vector<1x128xf32> to vector<10000x128xf32>
    %add3A_18 = arith.addf %slice3A_14, %add3A : vector<10000x128xf32>
    %convert_element_type3A_19 = arith.truncf %add3A_18 : vector<10000x128xf32> to vector<10000x128xbf16>
    %convert_element_type3A_20 = arith.extf %convert_element_type3A_19 : vector<10000x128xbf16> to vector<10000x128xf32>
    %bitcast_convert_type3A_21 = tpu.bitcast %convert_element_type3A_20 : vector<10000x128xf32> -> vector<10000x128xi32>
    %slice3A_22 = vector.extract_strided_slice %bitcast_convert_type3A_21 {offsets = [0, 0], sizes = [10000, 64], strides = [1, 1]} : vector<10000x128xi32> to vector<10000x64xi32>
    %shift_right_logical3A_23 = arith.constant 16 : i32
    %shift_right_logical3A_24 = vector.broadcast %shift_right_logical3A_23 : i32 to vector<10000x64xi32>
    %shift_right_logical3A_25 = arith.shrui %slice3A_22, %shift_right_logical3A_24 : vector<10000x64xi32>
    %slice3A_26 = vector.extract_strided_slice %bitcast_convert_type3A_21 {offsets = [0, 64], sizes = [10000, 64], strides = [1, 1]} : vector<10000x128xi32> to vector<10000x64xi32>
    %and3A_27 = arith.constant -65536 : i32
    %and3A_28 = vector.broadcast %and3A_27 : i32 to vector<10000x64xi32>
    %and3A_29 = arith.andi %slice3A_26, %and3A_28 : vector<10000x64xi32>
    %or3A_30 = arith.ori %shift_right_logical3A_25, %and3A_29 : vector<10000x64xi32>
    %bitcast_convert_type3A_31 = tpu.bitcast %or3A_30 : vector<10000x64xi32> -> vector<10000x64xi32>
    %concatenate3A = tpu.concatenate %bitcast_convert_type3A_13, %bitcast_convert_type3A_31 in 1 : vector<10000x64xi32>, vector<10000x64xi32> -> vector<10000x128xi32>
    %bitcast_convert_type3A_32 = tpu.bitcast %concatenate3A : vector<10000x128xi32> -> vector<10000x128xf32>
    %swap3A = arith.constant 0 : index
    %swap3A_33 = arith.constant 0 : index
    %swap3A_34 = vector.load %arg3[%swap3A, %swap3A_33] : memref<10008x128xf32, #tpu.memory_space<vmem>>, vector<10000x128xf32>
    tpu.vector_store %arg3[%swap3A, %swap3A_33], %bitcast_convert_type3A_32 {strides = array<i32>} : memref<10008x128xf32, #tpu.memory_space<vmem>>, vector<10000x128xf32>,
    return
  }
}

module attributes {stable_mosaic.version = 14 : i64} {
  func.func @_final_body(%arg0: i32, %arg1: memref<1000x128xf32, #tpu.memory_space<vmem>>, %arg2: memref<1000x128xf32, #tpu.memory_space<vmem>>, %arg3: memref<1000x128xf32, #tpu.memory_space<vmem>>, %arg4: memref<256x128xf32, #tpu.memory_space<vmem>>, %arg5: memref<1x128xf32, #tpu.memory_space<vmem>>, %arg6: memref<1000x128xf32, #tpu.memory_space<vmem>>) attributes {dimension_semantics = [#tpu.dimension_semantics<arbitrary>], iteration_bounds = array<i64: 10>, scalar_prefetch = 0 : i64, scratch_operands = 0 : i64, tpu.core_type = #tpu.core_type<tc>, window_params = [{transform_indices = @transform_0, window_bounds = array<i64: 1000, 128>}, {transform_indices = @transform_1, window_bounds = array<i64: 1000, 128>}, {transform_indices = @transform_2, window_bounds = array<i64: 1000, 128>}, {pipeline_mode = #tpu.pipeline_mode<synchronous>, transform_indices = @transform_3, window_bounds = array<i64: 256, 128>}, {pipeline_mode = #tpu.pipeline_mode<synchronous>, transform_indices = @transform_4, window_bounds = array<i64: 1, 128>}, {transform_indices = @transform_5, window_bounds = array<i64: 1000, 128>}]} {
    %get3A = arith.constant 0 : index
    %get3A_0 = arith.constant 0 : index
    %get3A_1 = vector.load %arg1[%get3A, %get3A_0] : memref<1000x128xf32, #tpu.memory_space<vmem>>, vector<1000x128xf32>
    %get3A_2 = arith.constant 0 : index
    %get3A_3 = arith.constant 0 : index
    %get3A_4 = vector.load %arg2[%get3A_2, %get3A_3] : memref<1000x128xf32, #tpu.memory_space<vmem>>, vector<1000x128xf32>
    %get3A_5 = arith.constant 0 : index
    %get3A_6 = arith.constant 0 : index
    %get3A_7 = vector.load %arg3[%get3A_5, %get3A_6] : memref<1000x128xf32, #tpu.memory_space<vmem>>, vector<1000x128xf32>
    %add3A = arith.addf %get3A_4, %get3A_7 : vector<1000x128xf32>
    %get3A_8 = arith.constant 0 : index
    %get3A_9 = arith.constant 0 : index
    %get3A_10 = vector.load %arg4[%get3A_8, %get3A_9] : memref<256x128xf32, #tpu.memory_space<vmem>>, vector<128x128xf32>
    %dot_general3A = arith.constant dense<0.000000e+00> : vector<1000x128xf32>
    %dot_general3A_11 = tpu.matmul %get3A_1, %get3A_10, %dot_general3A {dimension_numbers = #tpu.dot_dimension_numbers<[1], [0], [0], [1], [0, 0, 1, 1], [], []>, transpose_lhs_hint = false} : vector<1000x128xf32>, vector<128x128xf32>, vector<1000x128xf32> -> vector<1000x128xf32>
    %get3A_12 = arith.constant 128 : index
    %get3A_13 = arith.constant 0 : index
    %get3A_14 = vector.load %arg4[%get3A_12, %get3A_13] : memref<256x128xf32, #tpu.memory_space<vmem>>, vector<128x128xf32>
    %dot_general3A_15 = arith.constant dense<0.000000e+00> : vector<1000x128xf32>
    %dot_general3A_16 = tpu.matmul %add3A, %get3A_14, %dot_general3A_15 {dimension_numbers = #tpu.dot_dimension_numbers<[1], [0], [0], [1], [0, 0, 1, 1], [], []>, transpose_lhs_hint = false} : vector<1000x128xf32>, vector<128x128xf32>, vector<1000x128xf32> -> vector<1000x128xf32>
    %add3A_17 = arith.addf %dot_general3A_11, %dot_general3A_16 : vector<1000x128xf32>
    %get3A_18 = arith.constant 0 : index
    %get3A_19 = arith.constant 0 : index
    %get3A_20 = vector.load %arg5[%get3A_18, %get3A_19] : memref<1x128xf32, #tpu.memory_space<vmem>>, vector<1x128xf32>
    %add3A_21 = vector.broadcast %get3A_20 : vector<1x128xf32> to vector<1000x128xf32>
    %add3A_22 = arith.addf %add3A_17, %add3A_21 : vector<1000x128xf32>
    %max3A = arith.constant 0.000000e+00 : f32
    %max3A_23 = vector.broadcast %max3A : f32 to vector<1000x128xf32>
    %max3A_24 = arith.maximumf %add3A_22, %max3A_23 : vector<1000x128xf32>
    %add3A_25 = arith.addf %max3A_24, %get3A_1 : vector<1000x128xf32>
    %swap3A = arith.constant 0 : index
    %swap3A_26 = arith.constant 0 : index
    %swap3A_27 = vector.load %arg6[%swap3A, %swap3A_26] : memref<1000x128xf32, #tpu.memory_space<vmem>>, vector<1000x128xf32>
    tpu.vector_store %arg6[%swap3A, %swap3A_26], %add3A_25 {strides = array<i32>} : memref<1000x128xf32, #tpu.memory_space<vmem>>, vector<1000x128xf32>,
    return
  }
  func.func @transform_0(%arg0: i32) -> (i32, i32) {
    %c0_i32 = arith.constant 0 : i32
    %c0_i32_0 = arith.constant 0 : i32
    return %arg0, %c0_i32 : i32, i32
  }
  func.func @transform_1(%arg0: i32) -> (i32, i32) {
    %c0_i32 = arith.constant 0 : i32
    %c0_i32_0 = arith.constant 0 : i32
    return %arg0, %c0_i32 : i32, i32
  }
  func.func @transform_2(%arg0: i32) -> (i32, i32) {
    %c0_i32 = arith.constant 0 : i32
    %c0_i32_0 = arith.constant 0 : i32
    return %arg0, %c0_i32 : i32, i32
  }
  func.func @transform_3(%arg0: i32) -> (i32, i32) {
    %c0_i32 = arith.constant 0 : i32
    %c0_i32_0 = arith.constant 0 : i32
    %c0_i32_1 = arith.constant 0 : i32
    return %c0_i32, %c0_i32_0 : i32, i32
  }
  func.func @transform_4(%arg0: i32) -> (i32, i32) {
    %c0_i32 = arith.constant 0 : i32
    %c0_i32_0 = arith.constant 0 : i32
    %c0_i32_1 = arith.constant 0 : i32
    return %c0_i32, %c0_i32_0 : i32, i32
  }
  func.func @transform_5(%arg0: i32) -> (i32, i32) {
    %c0_i32 = arith.constant 0 : i32
    %c0_i32_0 = arith.constant 0 : i32
    return %arg0, %c0_i32 : i32, i32
  }
}

</mosaic_0001>

<sc_bundles>
// kernel: kernel.6.cloned.1.call-start
scs
__scs_entry_jumppad:
0x0: {  	(pc) =	sbr.rel $0x88, $3  }
0x1: {  	(tag) =	ssettag $0x0;
	lr =	simm.s32 $0x1  }
0x2: {  	[smem:$0x3F9A] =	sst lr;
	_ =	strace $0xD0000000  }
0x3: {  	_ = 	snop  }
0x4: {  	_ = 	snop  }
0x5: {  	_ = 	snop  }
0x6: {  	_ = 	snop  }
0x7: {  	_ = 	snop  }
__scs_overlays_trampoline_lowered:
0x8: {  	[smem:$0x3FA9] =	sst s0  }
0x9: {  	[smem:$0x3FAA] =	sst s1  }
0xa: {  	[smem:$0x3FAB] =	sst s2  }
0xb: {  	[smem:$0x3FAC] =	sst s3  }
0xc: {  	[smem:$0x3FAD] =	sst s4  }
0xd: {  	[smem:$0x3FAE] =	sst s5  }
0xe: {  	[smem:$0x3FAF] =	sst s6  }
0xf: {  	[smem:$0x3FB0] =	sst s7  }
0x10: {  	[smem:$0x3FB1] =	sst s8  }
0x11: {  	[smem:$0x3FB2] =	sst s9;
	s0 =	simm.s32 @!p0 $0x0  }
0x12: {  	s1 =	sld [smem:$0x3F98];
	s0 =	simm.s32 @p0 $0x1  }
0x13: {  	[smem:$0x3FB3] =	sst s0;
	s0 =	simm.s32 @!p1 $0x0  }
0x14: {  	s2 =	sld [smem:$0x3F97];
	s0 =	simm.s32 @p1 $0x1  }
0x15: {  	[smem:$0x3FB4] =	sst s0;
	s0 =	simm.s32 @!p2 $0x0  }
0x16: {  	s3 =	sld [smem:$0x3FDB];
	s0 =	simm.s32 @p2 $0x1  }
0x17: {  	s4 =	simm.s32 $0x1BF5;
	[smem:$0x3FB6] =	sst s0  }
0x18: {  	s0 =	sld [smem:$0x3F99];
	_ =	swait.ge [sflag:s4], $0x0  }
0x19: {  	s7 =	sld [smem:$0x3F9A]  }
0x1a: {  	s8 =	sadd.s32 $0xFFFFE003, lr  }
0x1b: {  	s9 =	sadd.s32 $0xFFFFFEF7, lr;
	s5 =	simm.s32 $0xFFFFFFFF;
	p2 =	slt.u32 s8, $0xFFFFF086  }
0x1c: {  	p1 =	slt.u32 s9, $0xF7A;
	s5 =	simm.s32 @!p2 $0x0  }
0x1d: {  	s5 =	simm.s32 @p1 $0x1;
	p0 =	seq.s32 s7, s2  }
0x1e: {  	s7 =	smul.u32 @!p0 $0xF7A, s2;
	p2 =	seq.s32 @!p0 s5, $0x0  }
0x1f: {  	s9 =	smul.u32 $0xF7A, s1;
	s8 =	simm.s32 @!p0 $0x1BF5;
	p2 =	por !p2, p0  }
0x20: {  	[sflag:s8] =	ssyncset.s32 @!p0 $0xFFFFF086;
	s6 =	sadd.s32 @!p0 s3, s7;
	s7 =	simm.s32 @!p0 $0x108  }
0x21: {  	s3 =	sadd.s32 s3, s9;
	s6 =	sadd.s32 @!p0 $0x88, s6;
	s7 =	simm.s32 @p2 $0x1082  }
0x22: {  	[simem:s7], [sflag:s8] =	dma.local @!p0 [hbm:s6], $0xF7A  }
0x23: {  	s9 =	sor.u32 $0xD0000000, s2;
	s6 =	simm.s32 $0x108;
	_ =	swait.ge @!p0 [sflag:s8], $0x0  }
0x24: {  	s3 =	sadd.s32 $0x88, s3;
	s6 =	simm.s32 @!p1 $0x1082;
	[sflag:s4] =	ssyncset.s32 $0xFFFFF086  }
0x25: {  	[simem:s6], [sflag:s4] =	dma.local [hbm:s3], $0xF7A  }
0x26: {  	[smem:$0x3F9A] =	sst s1;
	(tag) =	ssettag s2;
	_ =	strace s9  }
0x27: {  	s1 =	sld [smem:$0x3FAA]  }
0x28: {  	s2 =	sld [smem:$0x3FAB]  }
0x29: {  	s4 =	sld [smem:$0x3FAD]  }
0x2a: {  	p0 =	seq.s32 s5, $0x0;
	s5 =	sld [smem:$0x3FAE]  }
0x2b: {  	s6 =	sld [smem:$0x3FAF]  }
0x2c: {  	s7 =	sld [smem:$0x3FB0]  }
0x2d: {  	s3 =	simm.s32 $0x108;
	s8 =	sld [smem:$0x3FB1]  }
0x2e: {  	s3 =	simm.s32 @!p0 $0x1082;
	s9 =	sld [smem:$0x3FB2]  }
0x2f: {  	lr =	sadd.s32 s0, s3;
	s0 =	sld [smem:$0x3FA9]  }
0x30: {  	s3 =	sld [smem:$0x3FAC]  }
0x31: {  	[smem:$0x3FB5] =	sst s10  }
0x32: {  	s10 =	sld [smem:$0x3FB3];
	_ =	sdelay $0x3  }
0x33: {  	p0 =	seq.s32 s10, $0x1;
	s10 =	sld [smem:$0x3FB5];
	_ =	sdelay $0x3  }
0x34: {  	[smem:$0x3FB5] =	sst s10  }
0x35: {  	s10 =	sld [smem:$0x3FB4];
	_ =	sdelay $0x3  }
0x36: {  	p1 =	seq.s32 s10, $0x1;
	s10 =	sld [smem:$0x3FB5];
	_ =	sdelay $0x3  }
0x37: {  	[smem:$0x3FB5] =	sst s10  }
0x38: {  	s10 =	sld [smem:$0x3FB6]  }
0x39: {  	_ = 	snop;
	(pc) =	sbr.ind lr, $3  }
0x3a: {  	_ = 	snop  }
0x3b: {  	_ = 	snop  }
0x3c: {  	p2 =	seq.s32 s10, $0x1;
	s10 =	sld [smem:$0x3FB5]  }
0x3d: {  	_ =	shalt  }
0x3e: {  	_ =	shalt  }
0x3f: {  	_ =	shalt  }
0x40: {  	_ =	shalt  }
0x41: {  	_ =	shalt  }
0x42: {  	_ =	shalt  }
0x43: {  	_ =	shalt  }
0x44: {  	_ =	shalt  }
0x45: {  	_ =	shalt  }
0x46: {  	_ =	shalt  }
0x47: {  	_ =	shalt  }
0x48: {  	_ =	shalt  }
0x49: {  	_ =	shalt  }
0x4a: {  	_ =	shalt  }
0x4b: {  	_ =	shalt  }
0x4c: {  	_ =	shalt  }
0x4d: {  	_ =	shalt  }
0x4e: {  	_ =	shalt  }
0x4f: {  	_ =	shalt  }
0x50: {  	_ =	shalt  }
0x51: {  	_ =	shalt  }
0x52: {  	_ =	shalt  }
0x53: {  	_ =	shalt  }
0x54: {  	_ =	shalt  }
0x55: {  	_ =	shalt  }
0x56: {  	_ =	shalt  }
0x57: {  	_ =	shalt  }
0x58: {  	_ =	shalt  }
0x59: {  	_ =	shalt  }
0x5a: {  	_ =	shalt  }
0x5b: {  	_ =	shalt  }
0x5c: {  	_ =	shalt  }
0x5d: {  	_ =	shalt  }
0x5e: {  	_ =	shalt  }
0x5f: {  	_ =	shalt  }
0x60: {  	_ =	shalt  }
0x61: {  	_ =	shalt  }
0x62: {  	_ =	shalt  }
0x63: {  	_ =	shalt  }
0x64: {  	_ =	shalt  }
0x65: {  	_ =	shalt  }
0x66: {  	_ =	shalt  }
0x67: {  	_ =	shalt  }
0x68: {  	_ =	shalt  }
0x69: {  	_ =	shalt  }
0x6a: {  	_ =	shalt  }
0x6b: {  	_ =	shalt  }
0x6c: {  	_ =	shalt  }
0x6d: {  	_ =	shalt  }
0x6e: {  	_ =	shalt  }
0x6f: {  	_ =	shalt  }
0x70: {  	_ =	shalt  }
0x71: {  	_ =	shalt  }
0x72: {  	_ =	shalt  }
0x73: {  	_ =	shalt  }
0x74: {  	_ =	shalt  }
0x75: {  	_ =	shalt  }
0x76: {  	_ =	shalt  }
0x77: {  	_ =	shalt  }
0x78: {  	_ =	shalt  }
0x79: {  	_ =	shalt  }
0x7a: {  	_ =	shalt  }
0x7b: {  	_ =	shalt  }
0x7c: {  	_ =	shalt  }
0x7d: {  	_ =	shalt  }
0x7e: {  	_ =	shalt  }
0x7f: {  	_ =	shalt  }
0x80: {  	_ =	shalt  }
0x81: {  	_ =	shalt  }
0x82: {  	_ =	shalt  }
0x83: {  	_ =	shalt  }
0x84: {  	_ =	shalt  }
0x85: {  	_ =	shalt  }
0x86: {  	_ =	shalt  }
0x87: {  	_ =	shalt  }
.Lfunc_end0:
.L_simem_size_0:
called_computation_lowered:
.L_overlay_start_0:
0x88: {  	s2 =	sld [smem:$0x3FD9]  }
0x89: {  	s3 =	sld [smem:$0x3FFE];
	_ =	sdelay $0x1  }
0x8a: {  	s1 =	srdreg.scid  }
0x8b: {  	s0 =	sand.u32 $0x1, s1  }
0x8c: {  	s17 =	sshll.u32 s0, $0xA;
	s2 =	sadd.s32 s3, s2  }
0x8d: {  	s2 =	sadd.s32 s2, s17  }
0x8e: {  	[smem:$0x3FC1] =	sst s2  }
0x8f: {  	_ = 	snop  }
0x90: {  	s2 =	sld [smem:$0x3FD0];
	(tm) =	ssettm $0x1  }
0x91: {  	s18 =	sld [smem:$0x3FFB];
	_ =	sdelay $0x3  }
0x92: {  	_ =	strace s18  }
0x93: {  	s3 =	sld [smem:$0x3FFC];
	_ =	sdelay $0x3  }
0x94: {  	_ =	strace s3  }
0x95: {  	s3 =	sld [smem:$0x3FFD];
	_ =	sdelay $0x3  }
0x96: {  	_ =	strace s3  }
0x97: {  	_ =	strace $0x8FFFFFFF  }
0x98: {  	s19 =	sld [smem:$0x3FDB];
	_ =	sdelay $0x1  }
0x99: {  	s4 =	simm.s32 $_scs_section_size  }
0x9a: {  	s5 =	simm.s32 $_size__tile_overlayer_lowered;
	s6 =	simm.s32 $_tile_overlayer_lowered  }
0x9b: {  	s22 =	simm.s32 $0x1BFF;
	s21 =	sshll.u32 s6, $0x1;
	s3 =	sadd.s32 s4, s19  }
0x9c: {  	s7 =	simm.s32 $0x0;
	s20 =	sshll.u32 s5, $0x1;
	s5 =	sadd.s32 s21, s3  }
0x9d: {  	[timem:s7], [sflag:s22] =	dma.local [hbm:s5], s20  }
0x9e: {  	_ =	swait.ge [sflag:s22], s20  }
0x9f: {  	s4 =	ssub.s32 $0x0, s20;
	[sflag:s22] =	ssyncset.done $0x0  }
0xa0: {  	[sflag:s22] =	ssyncadd.s32 s4;
	_ =	sdelay $0x1  }
0xa1: {  	s23 =	simm.s32 $0x1B8B  }
0xa2: {  	_ =	swait.ge [sflag:s23], $0x1  }
0xa3: {  	[sflag:s23] =	ssyncset.done $0x0  }
0xa4: {  	s25 =	simm.s32 $0x1B8E;
	s24 =	sld [smem:$0x3FFE];
	[sflag:s23] =	ssyncadd.s32 $0xFFFFFFFF  }
0xa5: {  	s26 =	simm.s32 $execute0_lowered;
	[smem:$0x3FD2] =	sst s25  }
0xa6: {  	s5 =	sshll.u32 s26, $0x1;
	_ =	strace $0x80000046;
	[dreg:$0x1] =	wrdreg $0xFFFFFFFF  }
0xa7: {  	s28 =	simm.s32 $_size_execute0_lowered;
	s3 =	sadd.s32 s3, s5;
	[dreg:$0x0] =	wrdreg $0x0  }
0xa8: {  	s5 =	sshll.u32 s28, $0x1;
	[dreg:$0x2] =	wrdreg s3  }
0xa9: {  	[dreg:$0x3] =	wrdreg s5  }
0xaa: {  	[dreg:$0x4] =	wrdreg $0xC0  }
0xab: {  	_ =	task [dreg:s7], $0x5FFFF  }
0xac: {  	[dreg:$0x1] =	wrdreg $0xFFFFFFFF  }
0xad: {  	[dreg:$0x0] =	wrdreg $0x60  }
0xae: {  	[dreg:$0x2] =	wrdreg s2  }
0xaf: {  	[dreg:$0x3] =	wrdreg s24  }
0xb0: {  	[dreg:$0x4] =	wrdreg $0xC2000  }
0xb1: {  	[dreg:$0x5] =	wrdreg $0x9  }
0xb2: {  	_ =	task.clear_ibuf [dreg:s7], $0x6FFFF;
	_ =	strace $0x90000046  }
0xb3: {  	s29 =	simm.s32 $0x9;
	_ =	strace $0x80000048  }
0xb4: {  	_ =	swait.ge [sflag:s29], $0x1  }
0xb5: {  	[sflag:s29] =	ssyncadd.s32 $0xFFFFFFFF  }
0xb6: {  	_ =	strace $0x90000048  }
0xb7: {  	_ =	sfence  }
0xb8: {  	s30 =	sld [smem:$0x0];
	_ =	sdelay $0x2  }
0xb9: {  	s31 =	sshll.u32 s1, $0xD;
	s1 =	sshrl.u32 s1, $0x2  }
0xba: {  	s3 =	sand.u32 $0x4000, s31;
	s1 =	sadd.s32 s1, s30  }
0xbb: {  	s0 =	sor.u32 s3, s0;
	s1 =	sshll.u32 s1, $0x11  }
0xbc: {  	s0 =	sor.u32 s1, s0  }
0xbd: {  	s0 =	sadd.s32 $0x8F2B, s0  }
0xbe: {  	[sflag:s0] =	ssyncadd.remote.s32 $0x1  }
0xbf: {  	_ =	sfence.sel $0xFFFF  }
0xc0: {  	[dreg:$0x0] =	wrdreg $0xFFFFFFFF;
	(pc) =	sbr.abs _section_cstart, $3  }
0xc1: {  	[dreg:$0x1] =	wrdreg $0xFFFFFFFF  }
0xc2: {  	_ =	task.clear_ibuf [dreg:s7], $0x2FFFF;
	_ =	strace $0x9FFFFFFF  }
0xc3: {  	(tm) =	ssettm $0x7FFFFFFF  }
tec
execute0_lowered:
.L_overlay_start_1:
0x0: {  	(tag) =	ssettag $0x1  }
0x1: {  	s1 =	rddreg [dreg:$0x0]  }
0x2: {  	s0 =	rddreg [dreg:$0x1]  }
0x3: {  	s3 =	rddreg [dreg:$0x2];
	s4 =	simm.s32 $0x0  }
0x4: {  	s13 =	stileid.u32;
	s2 =	srdreg.scid;
	s28 =	simm.s32 $0xC0  }
0x5: {  	s29 =	simm.s32 $0x6200;
	s30 =	simm.s32 $0xA200;
	s31 =	simm.s32 $0x100  }
0x6: {  	[smem:$0x7FF] =	sst s4;
	s7 =	smul.u32 $0x13C00, s13;
	s2 =	sand.u32 $0x1, s2  }
0x7: {  	s5 =	sadd.s32 $0x1A00, s0;
	s19 =	smul.u32 $0x4F000, s13;
	s9 =	sshll.u32 s2, $0x4  }
0x8: {  	s6 =	sadd.s32 $0x4E3A00, s0;
	s8 =	smul.u32 $0x13C000, s2;
	s9 =	sor.u32 s13, s9  }
0x9: {  	s21 =	sshll.u32 s13, $0x6;
	_ =	strace $0x80000047;
	s18 =	smul.u32 $0x4F00, s9  }
0xa: {  	s2 =	ssub.s32 $0x2, s2;
	s10 =	sshrl.u32 s7, $0x3;
	s11 =	smul.u32 $0x300, s9  }
0xb: {  	s12 =	sshrl.u32 s2, $0x1;
	s7 =	sadd.s32 s7, s8;
	s20 =	smul.u32 $0x9E, s9  }
0xc: {  	s10 =	sadd.s32 s10, s0;
	s2 =	ssub.s32 s2, s12;
	s23 =	smul.u32 $0x27800, s9  }
0xd: {  	s9 =	sor.u32 $0x1C07, s21;
	s21 =	simm.s32 $0x200;
	s7 =	sshrl.u32 s7, $0x3  }
0xe: {  	s24 =	sadd.s32 $0x28C00, s10;
	s26 =	smax.u32 s2, $0x1;
	s0 =	sadd.s32 s7, s0  }
0xf: {  	s8 =	sand.u32 $0xFFC00, s18;
	s11 =	sand.u32 $0x300, s11;
	s7 =	sshrl.u32 s19, $0x2  }
0x10: {  	[dreg:$0x5] =	wrdreg s24;
	s12 =	sor.u32 $0x1, s20;
	s13 =	sadd.s32 $0x3, s20  }
0x11: {  	[dreg:$0x9] =	wrdreg s26;
	s16 =	sadd.s32 $0x2, s20;
	s18 =	simm.s32 $0x7  }
0x12: {  	s19 =	simm.s32 $0x80;
	s20 =	simm.s32 $0x40;
	s24 =	simm.s32 $0x1  }
0x13: {  	s26 =	simm.s32 $0x2200;
	s8 =	sor.u32 s11, s8;
	s7 =	sadd.s32 s7, s3  }
.Ltmp0:
0x14: {  	s0 =	sadd.s32 $0x50400, s0;
	s8 =	sshrl.u32 s8, $0x3;
	(pc) =	sbr.rel .LBB2_1-.Ltmp0, $4  }
0x15: {  	[dreg:$0x8] =	wrdreg s0;
	s17 =	sshrl.u32 s7, $0x3;
	s22 =	sadd.s32 s1, s8  }
0x16: {  	s0 =	simm.s32 $0x180;
	s8 =	sadd.s32 s6, s23;
	[dreg:$0x4] =	wrdreg s22  }
0x17: {  	s23 =	simm.s32 $0x0;
	s25 =	sadd.s32 $0x10, s22;
	[dreg:$0x7] =	wrdreg s8  }
0x18: {  	s22 =	simm.s32 $0x6;
	[dreg:$0x6] =	wrdreg s25;
	s25 =	simm.s32 $0x4  }
.LBB2_8:
0x19: {  	s2 =	simm.s32 $0x5  }
0x1a: {  	_ =	swait.ge [sflag:s2], $0x2000  }
0x1b: {  	[sflag:s2] =	ssyncset.done $0x0  }
0x1c: {  	[sflag:s2] =	ssyncadd.s32 $0xFFFFE000  }
0x1d: {  	_ =	swait.ge [sflag:s22], $0x2000  }
0x1e: {  	[sflag:s22] =	ssyncset.done $0x0  }
0x1f: {  	[sflag:s22] =	ssyncadd.s32 $0xFFFFE000  }
0x20: {  	[bflag:$0x0] =	sbarrier.arrive $0xFFFF  }
0x21: {  	s14 =	rddreg [dreg:$0x8]  }
0x22: {  	[hbm:s14], [sflag:s9] =	dma.local [spmem:s17], $0x2780  }
0x23: {  	_ =	swait.ge [sflag:s18], $0x2780  }
0x24: {  	s23 =	sadd.s32 $0x1, s23;
	s15 =	rddreg [dreg:$0x9]  }
0x25: {  	p0 =	sne.s32 s23, s15  }
.Ltmp1:
0x26: {  	_ = 	snop;
	(pc) =	sbr.rel @!p0 .LBB2_9-.Ltmp1, $3  }
0x27: {  	_ =	sdelay $0x1  }
0x28: {  	[sflag:s18] =	ssyncset.done $0x0  }
0x29: {  	[sflag:s18] =	ssyncadd.s32 $0xFFFFD880  }
.LBB2_1:
0x2a: {  	s2 =	rddreg [dreg:$0x5]  }
0x2b: {  	[spmem:s17], [sflag:s9] =	dma.local [hbm:s2], $0x2780  }
0x2c: {  	_ =	swait.ge [sflag:s18], $0x2780  }
0x2d: {  	[sflag:s18] =	ssyncset.done $0x0  }
0x2e: {  	s10 =	rddreg [dreg:$0x4];
	[sflag:s18] =	ssyncadd.s32 $0xFFFFD880  }
0x2f: {  	[tilespmem:s4], [sflag:$0x7] =	stream.linear.gather [hbm4b:s10+s4], $0x80, $0x38;
	[tilespmem:$0x1FE00] =	vst v63  }
0x30: {  	_ =	swait.ge [sflag:s18], $0x80  }
0x31: {  	[sflag:s18] =	ssyncset.done $0x0  }
0x32: {  	s11 =	rddreg [dreg:$0x6];
	[sflag:s18] =	ssyncadd.s32 $0xFFFFFF80  }
0x33: {  	[tilespmem:s19], [sflag:$0x4] =	stream.linear.gather [hbm4b:s11+s4], $0x80, $0x38;
	[tilespmem:$0x1FE00] =	vst v63  }
0x34: {  	_ = 	snop  }
0x35: {  	[tilespmem:s21], [sflag:$0x1] =	stream.indirect.gather [hbm4b:s5+s20], $0x80, s4, s20, $0xb8;
	[tilespmem:$0x1FE00] =	vst v63  }
0x36: {  	s14 =	simm.s32 $0x4200  }
0x37: {  	[tilespmem:s14], [sflag:$0x1] =	stream.indirect.gather [hbm4b:s5+s20], $0x80, s20, s20, $0xb8;
	[tilespmem:$0x1FE00] =	vst v63  }
0x38: {  	s7 =	simm.s32 $0x8200;
	s8 =	simm.s32 $0x0;
	s15 =	rddreg [dreg:$0x7]  }
0x39: {  	[tilespmem:s7], [sflag:$0x1] =	stream.linear.gather [hbm4b:s15+s4], $0x2000, $0x38;
	[tilespmem:$0x1FE00] =	vst v63  }
.LBB2_2:
0x3a: {  	_ =	swait.ge [sflag:s24], $0x2000  }
0x3b: {  	[sflag:s24] =	ssyncset.done $0x0  }
0x3c: {  	[sflag:s24] =	ssyncadd.s32 $0xFFFFE000  }
0x3d: {  	_ =	swait.ge [sflag:s24], $0x2000  }
0x3e: {  	[sflag:s24] =	ssyncset.done $0x0  }
0x3f: {  	[sflag:s24] =	ssyncadd.s32 $0xFFFFE000  }
0x40: {  	_ =	swait.ge [sflag:s24], $0x2000  }
0x41: {  	p0 =	seq.s32 s8, $0x0;
	[sflag:s24] =	ssyncset.done $0x0  }
0x42: {  	s2 =	simm.s32 @!p0 $0x6;
	[sflag:s24] =	ssyncadd.s32 $0xFFFFE000  }
0x43: {  	_ =	swait.ge @!p0 [sflag:s2], $0x2000  }
0x44: {  	[sflag:s2] =	ssyncset.done @!p0 $0x0  }
0x45: {  	[sflag:s2] =	ssyncadd.s32 @!p0 $0xFFFFE000  }
0x46: {  	s10 =	sshll.u32 s8, $0x1;
	_ =	swait.ge [sflag:s25], $0x80  }
0x47: {  	s14 =	sadd.s32 s10, s12;
	[sflag:s25] =	ssyncset.done $0x0  }
0x48: {  	s2 =	sshll.u32 s14, $0xA;
	[sflag:s25] =	ssyncadd.s32 $0xFFFFFF80  }
0x49: {  	[tilespmem:s26], [sflag:$0x2] =	stream.indirect.gather [hbm4b:s5+s20], $0x80, s19, s20, $0xb8;
	[tilespmem:$0x1FE00] =	vst v63  }
0x4a: {  	s2 =	sand.u32 $0x1FFFFC00, s2  }
0x4b: {  	[tilespmem:s29], [sflag:$0x2] =	stream.indirect.gather [hbm4b:s5+s20], $0x80, s28, s20, $0xb8;
	[tilespmem:$0x1FE00] =	vst v63  }
0x4c: {  	s11 =	simm.s32 $0x280;
	s2 =	sadd.s32 s6, s2  }
0x4d: {  	[tilespmem:s30], [sflag:$0x2] =	stream.linear.gather [hbm4b:s2+s4], $0x2000, $0x38;
	[tilespmem:$0x1FE00] =	vst v63  }
0x4e: {  	s15 =	simm.s32 $0x42C0;
	v0 =	vld [tilespmem:s11+$0xFFFFFF80]  }
0x4f: {  	v1 =	vld [tilespmem:s15+$0xFFFFFF80];
	_ =	sdelay $0x1  }
0x50: {  	s14 =	simm.s32 $0x8280  }
0x51: {  	v2 =	vld [tilespmem:s14+$0xFFFFFFC0]  }
0x52: {  	v3 =	vld [tilespmem:s14+$0xFFFFFF80]  }
0x53: {  	v0 =	vadd.bf16 v1, v0;
	_ =	sdelay $0x1  }
0x54: {  	v1 =	vand.u32 $0xFFFF0000, v0  }
0x55: {  	v0 =	vshll.u32 v0, $0x10;
	v1 =	vadd.f32 v1, v2  }
0x56: {  	v0 =	vadd.f32 v0, v3  }
0x57: {  	v1 =	vmax.f32 v1, $0.0e+00  }
0x58: {  	v0 =	vmax.f32 v0, $0.0e+00;
	[tilespmem:s11+$0xFFFFFFC0] =	vst v1  }
0x59: {  	[tilespmem:s11+$0xFFFFFF80] =	vst v0;
	v0 =	vld [tilespmem:s11+$0xFFFFFF90]  }
0x5a: {  	v1 =	vld [tilespmem:s15+$0xFFFFFF90];
	_ =	sdelay $0x2  }
0x5b: {  	v2 =	vld [tilespmem:s14+$0xFFFFFF90]  }
0x5c: {  	v3 =	vld [tilespmem:s14+$0xFFFFFFD0]  }
0x5d: {  	v0 =	vadd.bf16 v1, v0;
	_ =	sdelay $0x1  }
0x5e: {  	v1 =	vshll.u32 v0, $0x10  }
0x5f: {  	v0 =	vand.u32 $0xFFFF0000, v0;
	v1 =	vadd.f32 v1, v2  }
0x60: {  	v0 =	vadd.f32 v0, v3  }
0x61: {  	v1 =	vmax.f32 v1, $0.0e+00  }
0x62: {  	v0 =	vmax.f32 v0, $0.0e+00;
	[tilespmem:s11+$0xFFFFFF90] =	vst v1  }
0x63: {  	[tilespmem:s11+$0xFFFFFFD0] =	vst v0;
	v0 =	vld [tilespmem:s11+$0xFFFFFFA0]  }
0x64: {  	v1 =	vld [tilespmem:s15+$0xFFFFFFA0];
	_ =	sdelay $0x2  }
0x65: {  	v2 =	vld [tilespmem:s14+$0xFFFFFFA0]  }
0x66: {  	v3 =	vld [tilespmem:s14+$0xFFFFFFE0]  }
0x67: {  	v0 =	vadd.bf16 v1, v0;
	_ =	sdelay $0x1  }
0x68: {  	v1 =	vshll.u32 v0, $0x10  }
0x69: {  	v0 =	vand.u32 $0xFFFF0000, v0;
	v1 =	vadd.f32 v1, v2  }
0x6a: {  	v0 =	vadd.f32 v0, v3  }
0x6b: {  	v1 =	vmax.f32 v1, $0.0e+00  }
0x6c: {  	v0 =	vmax.f32 v0, $0.0e+00;
	[tilespmem:s11+$0xFFFFFFA0] =	vst v1  }
0x6d: {  	[tilespmem:s11+$0xFFFFFFE0] =	vst v0;
	v0 =	vld [tilespmem:s11+$0xFFFFFFB0]  }
0x6e: {  	v1 =	vld [tilespmem:s15+$0xFFFFFFB0];
	_ =	sdelay $0x2  }
0x6f: {  	v2 =	vld [tilespmem:s14+$0xFFFFFFF0]  }
0x70: {  	v3 =	vld [tilespmem:s14+$0xFFFFFFB0]  }
0x71: {  	v0 =	vadd.bf16 v1, v0;
	_ =	sdelay $0x1  }
0x72: {  	v1 =	vand.u32 $0xFFFF0000, v0  }
0x73: {  	v0 =	vshll.u32 v0, $0x10;
	v1 =	vadd.f32 v1, v2  }
0x74: {  	v0 =	vadd.f32 v0, v3  }
0x75: {  	v1 =	vmax.f32 v1, $0.0e+00  }
0x76: {  	v0 =	vmax.f32 v0, $0.0e+00;
	[tilespmem:s11+$0xFFFFFFF0] =	vst v1  }
0x77: {  	[tilespmem:s11+$0xFFFFFFB0] =	vst v0;
	v0 =	vld [tilespmem:s11+$0x0]  }
0x78: {  	v1 =	vld [tilespmem:s15+$0x0];
	_ =	sdelay $0x2  }
0x79: {  	v2 =	vld [tilespmem:s14+$0x0]  }
0x7a: {  	v3 =	vld [tilespmem:s14+$0x40]  }
0x7b: {  	v0 =	vadd.bf16 v1, v0;
	_ =	sdelay $0x1  }
0x7c: {  	v1 =	vshll.u32 v0, $0x10  }
0x7d: {  	v0 =	vand.u32 $0xFFFF0000, v0;
	v1 =	vadd.f32 v1, v2  }
0x7e: {  	v0 =	vadd.f32 v0, v3  }
0x7f: {  	v1 =	vmax.f32 v1, $0.0e+00  }
0x80: {  	v0 =	vmax.f32 v0, $0.0e+00;
	[tilespmem:s11+$0x0] =	vst v1  }
0x81: {  	[tilespmem:s11+$0x40] =	vst v0;
	v0 =	vld [tilespmem:s11+$0x10]  }
0x82: {  	v1 =	vld [tilespmem:s15+$0x10];
	_ =	sdelay $0x2  }
0x83: {  	v2 =	vld [tilespmem:s14+$0x10]  }
0x84: {  	v3 =	vld [tilespmem:s14+$0x50]  }
0x85: {  	v0 =	vadd.bf16 v1, v0;
	_ =	sdelay $0x1  }
0x86: {  	v1 =	vshll.u32 v0, $0x10  }
0x87: {  	v0 =	vand.u32 $0xFFFF0000, v0;
	v1 =	vadd.f32 v1, v2  }
0x88: {  	v0 =	vadd.f32 v0, v3  }
0x89: {  	v1 =	vmax.f32 v1, $0.0e+00  }
0x8a: {  	v0 =	vmax.f32 v0, $0.0e+00;
	[tilespmem:s11+$0x10] =	vst v1  }
0x8b: {  	v2 =	vld [tilespmem:s11+$0x20];
	[tilespmem:s11+$0x50] =	vst v0  }
0x8c: {  	v0 =	vld [tilespmem:s15+$0x20];
	_ =	sdelay $0x2  }
0x8d: {  	v1 =	vld [tilespmem:s14+$0x20]  }
0x8e: {  	v3 =	vld [tilespmem:s14+$0x60]  }
0x8f: {  	v0 =	vadd.bf16 v0, v2;
	_ =	sdelay $0x1  }
0x90: {  	v2 =	vshll.u32 v0, $0x10  }
0x91: {  	v0 =	vand.u32 $0xFFFF0000, v0;
	v1 =	vadd.f32 v2, v1  }
0x92: {  	v2 =	vadd.f32 v0, v3  }
0x93: {  	v1 =	vmax.f32 v1, $0.0e+00  }
0x94: {  	v2 =	vmax.f32 v2, $0.0e+00;
	[tilespmem:s11+$0x20] =	vst v1  }
0x95: {  	v0 =	vld [tilespmem:s11+$0x30];
	[tilespmem:s11+$0x60] =	vst v2  }
0x96: {  	v3 =	vld [tilespmem:s15+$0x30]  }
0x97: {  	v1 =	vld [tilespmem:s14+$0x30]  }
0x98: {  	s7 =	simm.s32 $0x0;
	s2 =	simm.s32 $0x43C0;
	v2 =	vld [tilespmem:s14+$0x70];
	s15 =	simm.s32 $0x280  }
.LBB2_3:
0x99: {  	s7 =	sadd.s32 $0x2, s7;
	s14 =	sadd.s32 $0x100, s14;
	s11 =	sadd.s32 $0x100, s11  }
0x9a: {  	p0 =	slt.u32 s7, $0x3E  }
0x9b: {  	v0 =	vadd.bf16 v3, v0;
	_ =	sdelay $0x1  }
0x9c: {  	v3 =	vshll.u32 v0, $0x10;
	v0 =	vand.u32 $0xFFFF0000, v0  }
0x9d: {  	v1 =	vadd.f32 v3, v1;
	v0 =	vadd.f32 v0, v2;
	_ =	sdelay $0x1  }
0x9e: {  	v1 =	vmax.f32 v1, $0.0e+00;
	v0 =	vmax.f32 v0, $0.0e+00  }
0x9f: {  	[tilespmem:s15+$0x30] =	vst v1  }
0xa0: {  	v1 =	vld [tilespmem:s11+$0xFFFFFF80];
	[tilespmem:s15+$0x70] =	vst v0;
	s15 =	smov.u32 s11  }
0xa1: {  	v0 =	vld [tilespmem:s2+$0xFFFFFF80];
	_ =	sdelay $0x1  }
0xa2: {  	v2 =	vld [tilespmem:s14+$0xFFFFFFC0]  }
0xa3: {  	v3 =	vld [tilespmem:s14+$0xFFFFFF80];
	_ =	sdelay $0x1  }
0xa4: {  	v0 =	vadd.bf16 v0, v1;
	_ =	sdelay $0x1  }
0xa5: {  	v1 =	vshll.u32 v0, $0x10;
	v0 =	vand.u32 $0xFFFF0000, v0  }
0xa6: {  	v1 =	vadd.f32 v1, v3;
	v0 =	vadd.f32 v0, v2;
	_ =	sdelay $0x1  }
0xa7: {  	v1 =	vmax.f32 v1, $0.0e+00;
	v0 =	vmax.f32 v0, $0.0e+00  }
0xa8: {  	[tilespmem:s11+$0xFFFFFFC0] =	vst v0  }
0xa9: {  	[tilespmem:s11+$0xFFFFFF80] =	vst v1;
	v0 =	vld [tilespmem:s11+$0xFFFFFF90]  }
0xaa: {  	v1 =	vld [tilespmem:s2+$0xFFFFFF90]  }
0xab: {  	v2 =	vld [tilespmem:s14+$0xFFFFFFD0];
	_ =	sdelay $0x1  }
0xac: {  	v3 =	vld [tilespmem:s14+$0xFFFFFF90];
	_ =	sdelay $0x1  }
0xad: {  	v0 =	vadd.bf16 v1, v0;
	_ =	sdelay $0x1  }
0xae: {  	v1 =	vshll.u32 v0, $0x10;
	v0 =	vand.u32 $0xFFFF0000, v0  }
0xaf: {  	v1 =	vadd.f32 v1, v3;
	v0 =	vadd.f32 v0, v2;
	_ =	sdelay $0x1  }
0xb0: {  	v1 =	vmax.f32 v1, $0.0e+00;
	v0 =	vmax.f32 v0, $0.0e+00  }
0xb1: {  	[tilespmem:s11+$0xFFFFFF90] =	vst v1  }
0xb2: {  	[tilespmem:s11+$0xFFFFFFD0] =	vst v0;
	v0 =	vld [tilespmem:s11+$0xFFFFFFA0]  }
0xb3: {  	v1 =	vld [tilespmem:s2+$0xFFFFFFA0]  }
0xb4: {  	v2 =	vld [tilespmem:s14+$0xFFFFFFA0];
	_ =	sdelay $0x1  }
0xb5: {  	v3 =	vld [tilespmem:s14+$0xFFFFFFE0];
	_ =	sdelay $0x1  }
0xb6: {  	v0 =	vadd.bf16 v1, v0;
	_ =	sdelay $0x1  }
0xb7: {  	v1 =	vshll.u32 v0, $0x10;
	v0 =	vand.u32 $0xFFFF0000, v0  }
0xb8: {  	v1 =	vadd.f32 v1, v2;
	v0 =	vadd.f32 v0, v3;
	_ =	sdelay $0x1  }
0xb9: {  	v1 =	vmax.f32 v1, $0.0e+00;
	v0 =	vmax.f32 v0, $0.0e+00  }
0xba: {  	[tilespmem:s11+$0xFFFFFFA0] =	vst v1  }
0xbb: {  	[tilespmem:s11+$0xFFFFFFE0] =	vst v0;
	v0 =	vld [tilespmem:s11+$0xFFFFFFB0]  }
0xbc: {  	v1 =	vld [tilespmem:s2+$0xFFFFFFB0]  }
0xbd: {  	v2 =	vld [tilespmem:s14+$0xFFFFFFB0];
	_ =	sdelay $0x1  }
0xbe: {  	v3 =	vld [tilespmem:s14+$0xFFFFFFF0];
	_ =	sdelay $0x1  }
0xbf: {  	v0 =	vadd.bf16 v1, v0;
	_ =	sdelay $0x1  }
0xc0: {  	v1 =	vshll.u32 v0, $0x10;
	v0 =	vand.u32 $0xFFFF0000, v0  }
0xc1: {  	v1 =	vadd.f32 v1, v2;
	v0 =	vadd.f32 v0, v3;
	_ =	sdelay $0x1  }
0xc2: {  	v1 =	vmax.f32 v1, $0.0e+00;
	v0 =	vmax.f32 v0, $0.0e+00  }
0xc3: {  	[tilespmem:s11+$0xFFFFFFB0] =	vst v1  }
0xc4: {  	[tilespmem:s11+$0xFFFFFFF0] =	vst v0;
	v0 =	vld [tilespmem:s11+$0x0]  }
0xc5: {  	v1 =	vld [tilespmem:s2+$0x0]  }
0xc6: {  	v2 =	vld [tilespmem:s14+$0x0];
	_ =	sdelay $0x1  }
0xc7: {  	v3 =	vld [tilespmem:s14+$0x40];
	_ =	sdelay $0x1  }
0xc8: {  	v0 =	vadd.bf16 v1, v0;
	_ =	sdelay $0x1  }
0xc9: {  	v1 =	vshll.u32 v0, $0x10;
	v0 =	vand.u32 $0xFFFF0000, v0  }
0xca: {  	v1 =	vadd.f32 v1, v2;
	v0 =	vadd.f32 v0, v3;
	_ =	sdelay $0x1  }
0xcb: {  	v1 =	vmax.f32 v1, $0.0e+00;
	v0 =	vmax.f32 v0, $0.0e+00  }
0xcc: {  	[tilespmem:s11+$0x0] =	vst v1  }
0xcd: {  	[tilespmem:s11+$0x40] =	vst v0;
	v0 =	vld [tilespmem:s11+$0x10]  }
0xce: {  	v1 =	vld [tilespmem:s2+$0x10]  }
0xcf: {  	v2 =	vld [tilespmem:s14+$0x10]  }
0xd0: {  	v3 =	vld [tilespmem:s14+$0x50];
	_ =	sdelay $0x2  }
0xd1: {  	v0 =	vadd.bf16 v1, v0  }
0xd2: {  	v1 =	vld [tilespmem:s11+$0x20]  }
0xd3: {  	v4 =	vshll.u32 v0, $0x10;
	v0 =	vand.u32 $0xFFFF0000, v0  }
0xd4: {  	v2 =	vadd.f32 v4, v2;
	v0 =	vadd.f32 v0, v3;
	_ =	sdelay $0x1  }
0xd5: {  	v2 =	vmax.f32 v2, $0.0e+00;
	v0 =	vmax.f32 v0, $0.0e+00  }
0xd6: {  	[tilespmem:s11+$0x10] =	vst v2  }
0xd7: {  	[tilespmem:s11+$0x50] =	vst v0  }
0xd8: {  	v0 =	vld [tilespmem:s2+$0x20]  }
0xd9: {  	v2 =	vld [tilespmem:s14+$0x20]  }
0xda: {  	v3 =	vld [tilespmem:s14+$0x60];
	_ =	sdelay $0x2  }
0xdb: {  	v1 =	vadd.bf16 v0, v1;
	v0 =	vld [tilespmem:s11+$0x30];
	_ =	sdelay $0x1  }
0xdc: {  	v4 =	vshll.u32 v1, $0x10;
	v1 =	vand.u32 $0xFFFF0000, v1  }
0xdd: {  	v2 =	vadd.f32 v4, v2;
	v1 =	vadd.f32 v1, v3;
	_ =	sdelay $0x1  }
0xde: {  	v2 =	vmax.f32 v2, $0.0e+00;
	v1 =	vmax.f32 v1, $0.0e+00  }
.Ltmp2:
0xdf: {  	[tilespmem:s11+$0x20] =	vst v2;
	(pc) =	sbr.rel @p0 .LBB2_3-.Ltmp2, $4  }
0xe0: {  	[tilespmem:s11+$0x60] =	vst v1  }
0xe1: {  	v3 =	vld [tilespmem:s2+$0x30]  }
0xe2: {  	v1 =	vld [tilespmem:s14+$0x30]  }
0xe3: {  	s2 =	sadd.s32 $0x100, s2;
	v2 =	vld [tilespmem:s14+$0x70]  }
0xe4: {  	_ =	sdelay $0x1  }
0xe5: {  	v0 =	vadd.bf16 v3, v0;
	_ =	sdelay $0x1  }
0xe6: {  	v3 =	vshll.u32 v0, $0x10  }
0xe7: {  	v0 =	vand.u32 $0xFFFF0000, v0;
	v1 =	vadd.f32 v3, v1  }
0xe8: {  	v0 =	vadd.f32 v0, v2  }
0xe9: {  	v1 =	vmax.f32 v1, $0.0e+00  }
0xea: {  	v0 =	vmax.f32 v0, $0.0e+00;
	[tilespmem:s15+$0x30] =	vst v1  }
0xeb: {  	[tilespmem:s15+$0x70] =	vst v0  }
0xec: {  	v0 =	vld [tilespmem:$0x40]  }
0xed: {  	v1 =	vld [tilespmem:$0x50]  }
0xee: {  	v2 =	vld [tilespmem:$0x60]  }
0xef: {  	v3 =	vld [tilespmem:$0x70];
	_ =	sdelay $0x1  }
0xf0: {  	p0 =	sne.s32 s8, $0x4E;
	[tilespmem:$0x100] =	vst v0  }
0xf1: {  	s2 =	sadd.s32 @p0 s16, s10;
	[tilespmem:$0x110] =	vst v1  }
0xf2: {  	s7 =	sshll.u32 @p0 s2, $0x4;
	[tilespmem:$0x120] =	vst v2  }
0xf3: {  	s7 =	sand.u32 @p0 $0xFFFFFE0, s7;
	[tilespmem:$0x130] =	vst v3  }
0xf4: {  	[spmem:s3] =	stream.indirect.scatter.add.f32 [tilespmem:s21], [sflag:$0x5], $0x80, s31, s20, $0xb8;
	[tilespmem:$0x1FE00] =	vst v63  }
0xf5: {  	s11 =	simm.s32 @p0 $0x0;
	s7 =	sadd.s32 @p0 s1, s7  }
0xf6: {  	[tilespmem:s11], [sflag:$0x3] =	stream.linear.gather @p0 [hbm4b:s7+s11], $0x80, $0x38;
	[tilespmem:$0x1FE00] =	vst v63  }
0xf7: {  	s7 =	simm.s32 @p0 $0x2  }
0xf8: {  	_ =	swait.ge @p0 [sflag:s7], $0x2000  }
0xf9: {  	[sflag:s7] =	ssyncset.done @p0 $0x0  }
0xfa: {  	[sflag:s7] =	ssyncadd.s32 @p0 $0xFFFFE000  }
0xfb: {  	_ =	swait.ge @p0 [sflag:s7], $0x2000  }
0xfc: {  	[sflag:s7] =	ssyncset.done @p0 $0x0  }
0xfd: {  	[sflag:s7] =	ssyncadd.s32 @p0 $0xFFFFE000  }
0xfe: {  	_ =	swait.ge @p0 [sflag:s7], $0x2000  }
0xff: {  	[sflag:s7] =	ssyncset.done @p0 $0x0  }
0x100: {  	[sflag:s7] =	ssyncadd.s32 @p0 $0xFFFFE000;
	s7 =	simm.s32 @p0 $0x5  }
0x101: {  	_ =	swait.ge @p0 [sflag:s7], $0x2000  }
0x102: {  	[sflag:s7] =	ssyncset.done @p0 $0x0  }
0x103: {  	[sflag:s7] =	ssyncadd.s32 @p0 $0xFFFFE000;
	s7 =	simm.s32 @p0 $0x3  }
0x104: {  	_ =	swait.ge @p0 [sflag:s7], $0x80  }
0x105: {  	s14 =	simm.s32 @p0 $0x200;
	[sflag:s7] =	ssyncset.done @p0 $0x0  }
0x106: {  	s2 =	sshll.u32 @p0 s2, $0xA;
	[sflag:s7] =	ssyncadd.s32 @p0 $0xFFFFFF80;
	s7 =	simm.s32 @p0 $0x40  }
0x107: {  	[tilespmem:s14], [sflag:$0x1] =	stream.indirect.gather @p0 [hbm4b:s5+s7], $0x80, s11, s7, $0xb8;
	[tilespmem:$0x1FE00] =	vst v63  }
0x108: {  	s2 =	sand.u32 @p0 $0x1FFFF800, s2;
	s14 =	simm.s32 @p0 $0x4200  }
0x109: {  	[tilespmem:s14], [sflag:$0x1] =	stream.indirect.gather @p0 [hbm4b:s5+s7], $0x80, s7, s7, $0xb8;
	[tilespmem:$0x1FE00] =	vst v63  }
0x10a: {  	s2 =	sadd.s32 @p0 s6, s2;
	s7 =	simm.s32 @p0 $0x8200  }
0x10b: {  	[tilespmem:s7], [sflag:$0x1] =	stream.linear.gather @p0 [hbm4b:s2+s11], $0x2000, $0x38;
	[tilespmem:$0x1FE00] =	vst v63  }
0x10c: {  	s2 =	simm.s32 @!p0 $0x2  }
0x10d: {  	_ =	swait.ge @!p0 [sflag:s2], $0x2000  }
0x10e: {  	[sflag:s2] =	ssyncset.done @!p0 $0x0  }
0x10f: {  	[sflag:s2] =	ssyncadd.s32 @!p0 $0xFFFFE000  }
0x110: {  	_ =	swait.ge @!p0 [sflag:s2], $0x2000  }
0x111: {  	[sflag:s2] =	ssyncset.done @!p0 $0x0  }
0x112: {  	[sflag:s2] =	ssyncadd.s32 @!p0 $0xFFFFE000  }
0x113: {  	_ =	swait.ge @!p0 [sflag:s2], $0x2000  }
0x114: {  	[sflag:s2] =	ssyncset.done @!p0 $0x0  }
0x115: {  	s11 =	simm.s32 $0x2200;
	[sflag:s2] =	ssyncadd.s32 @!p0 $0xFFFFE000  }
0x116: {  	s15 =	simm.s32 $0x62F0;
	v0 =	vld [tilespmem:s11+$0x0]  }
0x117: {  	v1 =	vld [tilespmem:s15+$0xFFFFFF50];
	_ =	sdelay $0x1  }
0x118: {  	s14 =	simm.s32 $0xA2F0  }
0x119: {  	v2 =	vld [tilespmem:s14+$0xFFFFFF50]  }
0x11a: {  	v3 =	vld [tilespmem:s14+$0xFFFFFF10]  }
0x11b: {  	v0 =	vadd.bf16 v1, v0;
	_ =	sdelay $0x1  }
0x11c: {  	v1 =	vand.u32 $0xFFFF0000, v0  }
0x11d: {  	v0 =	vshll.u32 v0, $0x10;
	v1 =	vadd.f32 v1, v2  }
0x11e: {  	v0 =	vadd.f32 v0, v3  }
0x11f: {  	v1 =	vmax.f32 v1, $0.0e+00  }
0x120: {  	v0 =	vmax.f32 v0, $0.0e+00;
	[tilespmem:s11+$0x40] =	vst v1  }
0x121: {  	[tilespmem:s11+$0x0] =	vst v0;
	v0 =	vld [tilespmem:s11+$0x10]  }
0x122: {  	v1 =	vld [tilespmem:s15+$0xFFFFFF60];
	_ =	sdelay $0x2  }
0x123: {  	v2 =	vld [tilespmem:s14+$0xFFFFFF20]  }
0x124: {  	v3 =	vld [tilespmem:s14+$0xFFFFFF60]  }
0x125: {  	v0 =	vadd.bf16 v1, v0;
	_ =	sdelay $0x1  }
0x126: {  	v1 =	vshll.u32 v0, $0x10  }
0x127: {  	v0 =	vand.u32 $0xFFFF0000, v0;
	v1 =	vadd.f32 v1, v2  }
0x128: {  	v0 =	vadd.f32 v0, v3  }
0x129: {  	v1 =	vmax.f32 v1, $0.0e+00  }
0x12a: {  	v0 =	vmax.f32 v0, $0.0e+00;
	[tilespmem:s11+$0x10] =	vst v1  }
0x12b: {  	[tilespmem:s11+$0x50] =	vst v0;
	v0 =	vld [tilespmem:s11+$0x20]  }
0x12c: {  	v1 =	vld [tilespmem:s15+$0xFFFFFF70];
	_ =	sdelay $0x2  }
0x12d: {  	v2 =	vld [tilespmem:s14+$0xFFFFFF30]  }
0x12e: {  	v3 =	vld [tilespmem:s14+$0xFFFFFF70]  }
0x12f: {  	v0 =	vadd.bf16 v1, v0;
	_ =	sdelay $0x1  }
0x130: {  	v1 =	vshll.u32 v0, $0x10  }
0x131: {  	v0 =	vand.u32 $0xFFFF0000, v0;
	v1 =	vadd.f32 v1, v2  }
0x132: {  	v0 =	vadd.f32 v0, v3  }
0x133: {  	v1 =	vmax.f32 v1, $0.0e+00  }
0x134: {  	v0 =	vmax.f32 v0, $0.0e+00;
	[tilespmem:s11+$0x20] =	vst v1  }
0x135: {  	[tilespmem:s11+$0x60] =	vst v0;
	v0 =	vld [tilespmem:s11+$0x30]  }
0x136: {  	v1 =	vld [tilespmem:s15+$0xFFFFFF80];
	_ =	sdelay $0x2  }
0x137: {  	v2 =	vld [tilespmem:s14+$0xFFFFFF80]  }
0x138: {  	v3 =	vld [tilespmem:s14+$0xFFFFFF40]  }
0x139: {  	v0 =	vadd.bf16 v1, v0;
	_ =	sdelay $0x1  }
0x13a: {  	v1 =	vand.u32 $0xFFFF0000, v0  }
0x13b: {  	v0 =	vshll.u32 v0, $0x10;
	v1 =	vadd.f32 v1, v2  }
0x13c: {  	v0 =	vadd.f32 v0, v3  }
0x13d: {  	v1 =	vmax.f32 v1, $0.0e+00  }
0x13e: {  	v0 =	vmax.f32 v0, $0.0e+00;
	[tilespmem:s11+$0x70] =	vst v1  }
0x13f: {  	[tilespmem:s11+$0x30] =	vst v0;
	v0 =	vld [tilespmem:s11+$0x80]  }
0x140: {  	v1 =	vld [tilespmem:s15+$0xFFFFFFD0];
	_ =	sdelay $0x2  }
0x141: {  	v2 =	vld [tilespmem:s14+$0xFFFFFF90]  }
0x142: {  	v3 =	vld [tilespmem:s14+$0xFFFFFFD0]  }
0x143: {  	v0 =	vadd.bf16 v1, v0;
	_ =	sdelay $0x1  }
0x144: {  	v1 =	vshll.u32 v0, $0x10  }
0x145: {  	v0 =	vand.u32 $0xFFFF0000, v0;
	v1 =	vadd.f32 v1, v2  }
0x146: {  	v0 =	vadd.f32 v0, v3  }
0x147: {  	v1 =	vmax.f32 v1, $0.0e+00  }
0x148: {  	v0 =	vmax.f32 v0, $0.0e+00;
	[tilespmem:s11+$0x80] =	vst v1  }
0x149: {  	[tilespmem:s11+$0xC0] =	vst v0;
	v0 =	vld [tilespmem:s11+$0x90]  }
0x14a: {  	v1 =	vld [tilespmem:s15+$0xFFFFFFE0];
	_ =	sdelay $0x2  }
0x14b: {  	v2 =	vld [tilespmem:s14+$0xFFFFFFA0]  }
0x14c: {  	v3 =	vld [tilespmem:s14+$0xFFFFFFE0]  }
0x14d: {  	v0 =	vadd.bf16 v1, v0;
	_ =	sdelay $0x1  }
0x14e: {  	v1 =	vshll.u32 v0, $0x10  }
0x14f: {  	v0 =	vand.u32 $0xFFFF0000, v0;
	v1 =	vadd.f32 v1, v2  }
0x150: {  	v0 =	vadd.f32 v0, v3  }
0x151: {  	v1 =	vmax.f32 v1, $0.0e+00  }
0x152: {  	v0 =	vmax.f32 v0, $0.0e+00;
	[tilespmem:s11+$0x90] =	vst v1  }
0x153: {  	v2 =	vld [tilespmem:s11+$0xA0];
	[tilespmem:s11+$0xD0] =	vst v0  }
0x154: {  	v0 =	vld [tilespmem:s15+$0xFFFFFFF0];
	_ =	sdelay $0x2  }
0x155: {  	v1 =	vld [tilespmem:s14+$0xFFFFFFB0]  }
0x156: {  	v3 =	vld [tilespmem:s14+$0xFFFFFFF0]  }
0x157: {  	v0 =	vadd.bf16 v0, v2;
	_ =	sdelay $0x1  }
0x158: {  	v2 =	vshll.u32 v0, $0x10  }
0x159: {  	v0 =	vand.u32 $0xFFFF0000, v0;
	v1 =	vadd.f32 v2, v1  }
0x15a: {  	v2 =	vadd.f32 v0, v3  }
0x15b: {  	v1 =	vmax.f32 v1, $0.0e+00  }
0x15c: {  	v2 =	vmax.f32 v2, $0.0e+00;
	[tilespmem:s11+$0xA0] =	vst v1  }
0x15d: {  	v0 =	vld [tilespmem:s11+$0xB0];
	[tilespmem:s11+$0xE0] =	vst v2  }
0x15e: {  	v3 =	vld [tilespmem:s15+$0x0]  }
0x15f: {  	v1 =	vld [tilespmem:s14+$0xFFFFFFC0]  }
0x160: {  	s7 =	simm.s32 $0x0;
	s2 =	simm.s32 $0x63F0;
	v2 =	vld [tilespmem:s14+$0x0];
	s15 =	simm.s32 $0x2200  }
.LBB2_5:
0x161: {  	s7 =	sadd.s32 $0x2, s7;
	s11 =	sadd.s32 $0x100, s11;
	s14 =	sadd.s32 $0x100, s14  }
0x162: {  	p0 =	slt.u32 s7, $0x3E  }
0x163: {  	v0 =	vadd.bf16 v3, v0;
	_ =	sdelay $0x1  }
0x164: {  	v3 =	vshll.u32 v0, $0x10;
	v0 =	vand.u32 $0xFFFF0000, v0  }
0x165: {  	v1 =	vadd.f32 v3, v1;
	v0 =	vadd.f32 v0, v2;
	_ =	sdelay $0x1  }
0x166: {  	v1 =	vmax.f32 v1, $0.0e+00;
	v0 =	vmax.f32 v0, $0.0e+00  }
0x167: {  	[tilespmem:s15+$0xB0] =	vst v1  }
0x168: {  	v1 =	vld [tilespmem:s11+$0x0];
	[tilespmem:s15+$0xF0] =	vst v0;
	s15 =	smov.u32 s11  }
0x169: {  	v0 =	vld [tilespmem:s2+$0xFFFFFF50];
	_ =	sdelay $0x1  }
0x16a: {  	v2 =	vld [tilespmem:s14+$0xFFFFFF50]  }
0x16b: {  	v3 =	vld [tilespmem:s14+$0xFFFFFF10];
	_ =	sdelay $0x1  }
0x16c: {  	v0 =	vadd.bf16 v0, v1;
	_ =	sdelay $0x1  }
0x16d: {  	v1 =	vshll.u32 v0, $0x10;
	v0 =	vand.u32 $0xFFFF0000, v0  }
0x16e: {  	v1 =	vadd.f32 v1, v3;
	v0 =	vadd.f32 v0, v2;
	_ =	sdelay $0x1  }
0x16f: {  	v1 =	vmax.f32 v1, $0.0e+00;
	v0 =	vmax.f32 v0, $0.0e+00  }
0x170: {  	[tilespmem:s11+$0x40] =	vst v0  }
0x171: {  	[tilespmem:s11+$0x0] =	vst v1;
	v0 =	vld [tilespmem:s11+$0x10]  }
0x172: {  	v1 =	vld [tilespmem:s2+$0xFFFFFF60]  }
0x173: {  	v2 =	vld [tilespmem:s14+$0xFFFFFF60];
	_ =	sdelay $0x1  }
0x174: {  	v3 =	vld [tilespmem:s14+$0xFFFFFF20];
	_ =	sdelay $0x1  }
0x175: {  	v0 =	vadd.bf16 v1, v0;
	_ =	sdelay $0x1  }
0x176: {  	v1 =	vshll.u32 v0, $0x10;
	v0 =	vand.u32 $0xFFFF0000, v0  }
0x177: {  	v1 =	vadd.f32 v1, v3;
	v0 =	vadd.f32 v0, v2;
	_ =	sdelay $0x1  }
0x178: {  	v1 =	vmax.f32 v1, $0.0e+00;
	v0 =	vmax.f32 v0, $0.0e+00  }
0x179: {  	[tilespmem:s11+$0x10] =	vst v1  }
0x17a: {  	[tilespmem:s11+$0x50] =	vst v0;
	v0 =	vld [tilespmem:s11+$0x20]  }
0x17b: {  	v1 =	vld [tilespmem:s2+$0xFFFFFF70]  }
0x17c: {  	v2 =	vld [tilespmem:s14+$0xFFFFFF30];
	_ =	sdelay $0x1  }
0x17d: {  	v3 =	vld [tilespmem:s14+$0xFFFFFF70];
	_ =	sdelay $0x1  }
0x17e: {  	v0 =	vadd.bf16 v1, v0;
	_ =	sdelay $0x1  }
0x17f: {  	v1 =	vshll.u32 v0, $0x10;
	v0 =	vand.u32 $0xFFFF0000, v0  }
0x180: {  	v1 =	vadd.f32 v1, v2;
	v0 =	vadd.f32 v0, v3;
	_ =	sdelay $0x1  }
0x181: {  	v1 =	vmax.f32 v1, $0.0e+00;
	v0 =	vmax.f32 v0, $0.0e+00  }
0x182: {  	[tilespmem:s11+$0x20] =	vst v1  }
0x183: {  	[tilespmem:s11+$0x60] =	vst v0;
	v0 =	vld [tilespmem:s11+$0x30]  }
0x184: {  	v1 =	vld [tilespmem:s2+$0xFFFFFF80]  }
0x185: {  	v2 =	vld [tilespmem:s14+$0xFFFFFF40];
	_ =	sdelay $0x1  }
0x186: {  	v3 =	vld [tilespmem:s14+$0xFFFFFF80];
	_ =	sdelay $0x1  }
0x187: {  	v0 =	vadd.bf16 v1, v0;
	_ =	sdelay $0x1  }
0x188: {  	v1 =	vshll.u32 v0, $0x10;
	v0 =	vand.u32 $0xFFFF0000, v0  }
0x189: {  	v1 =	vadd.f32 v1, v2;
	v0 =	vadd.f32 v0, v3;
	_ =	sdelay $0x1  }
0x18a: {  	v1 =	vmax.f32 v1, $0.0e+00;
	v0 =	vmax.f32 v0, $0.0e+00  }
0x18b: {  	[tilespmem:s11+$0x30] =	vst v1  }
0x18c: {  	[tilespmem:s11+$0x70] =	vst v0;
	v0 =	vld [tilespmem:s11+$0x80]  }
0x18d: {  	v1 =	vld [tilespmem:s2+$0xFFFFFFD0]  }
0x18e: {  	v2 =	vld [tilespmem:s14+$0xFFFFFF90];
	_ =	sdelay $0x1  }
0x18f: {  	v3 =	vld [tilespmem:s14+$0xFFFFFFD0];
	_ =	sdelay $0x1  }
0x190: {  	v0 =	vadd.bf16 v1, v0;
	_ =	sdelay $0x1  }
0x191: {  	v1 =	vshll.u32 v0, $0x10;
	v0 =	vand.u32 $0xFFFF0000, v0  }
0x192: {  	v1 =	vadd.f32 v1, v2;
	v0 =	vadd.f32 v0, v3;
	_ =	sdelay $0x1  }
0x193: {  	v1 =	vmax.f32 v1, $0.0e+00;
	v0 =	vmax.f32 v0, $0.0e+00  }
0x194: {  	[tilespmem:s11+$0x80] =	vst v1  }
0x195: {  	[tilespmem:s11+$0xC0] =	vst v0;
	v0 =	vld [tilespmem:s11+$0x90]  }
0x196: {  	v1 =	vld [tilespmem:s2+$0xFFFFFFE0]  }
0x197: {  	v2 =	vld [tilespmem:s14+$0xFFFFFFA0]  }
0x198: {  	v3 =	vld [tilespmem:s14+$0xFFFFFFE0];
	_ =	sdelay $0x2  }
0x199: {  	v0 =	vadd.bf16 v1, v0  }
0x19a: {  	v1 =	vld [tilespmem:s11+$0xA0]  }
0x19b: {  	v4 =	vshll.u32 v0, $0x10;
	v0 =	vand.u32 $0xFFFF0000, v0  }
0x19c: {  	v2 =	vadd.f32 v4, v2;
	v0 =	vadd.f32 v0, v3;
	_ =	sdelay $0x1  }
0x19d: {  	v2 =	vmax.f32 v2, $0.0e+00;
	v0 =	vmax.f32 v0, $0.0e+00  }
0x19e: {  	[tilespmem:s11+$0x90] =	vst v2  }
0x19f: {  	[tilespmem:s11+$0xD0] =	vst v0  }
0x1a0: {  	v0 =	vld [tilespmem:s2+$0xFFFFFFF0]  }
0x1a1: {  	v2 =	vld [tilespmem:s14+$0xFFFFFFB0]  }
0x1a2: {  	v3 =	vld [tilespmem:s14+$0xFFFFFFF0];
	_ =	sdelay $0x2  }
0x1a3: {  	v1 =	vadd.bf16 v0, v1;
	v0 =	vld [tilespmem:s11+$0xB0];
	_ =	sdelay $0x1  }
0x1a4: {  	v4 =	vshll.u32 v1, $0x10;
	v1 =	vand.u32 $0xFFFF0000, v1  }
0x1a5: {  	v2 =	vadd.f32 v4, v2;
	v1 =	vadd.f32 v1, v3;
	_ =	sdelay $0x1  }
0x1a6: {  	v2 =	vmax.f32 v2, $0.0e+00;
	v1 =	vmax.f32 v1, $0.0e+00  }
.Ltmp3:
0x1a7: {  	[tilespmem:s11+$0xA0] =	vst v2;
	(pc) =	sbr.rel @p0 .LBB2_5-.Ltmp3, $4  }
0x1a8: {  	[tilespmem:s11+$0xE0] =	vst v1  }
0x1a9: {  	v3 =	vld [tilespmem:s2+$0x0]  }
0x1aa: {  	v1 =	vld [tilespmem:s14+$0xFFFFFFC0]  }
0x1ab: {  	s2 =	sadd.s32 $0x100, s2;
	v2 =	vld [tilespmem:s14+$0x0]  }
0x1ac: {  	_ =	sdelay $0x1  }
0x1ad: {  	v0 =	vadd.bf16 v3, v0;
	_ =	sdelay $0x1  }
0x1ae: {  	v3 =	vshll.u32 v0, $0x10  }
0x1af: {  	v0 =	vand.u32 $0xFFFF0000, v0;
	v1 =	vadd.f32 v3, v1  }
0x1b0: {  	v0 =	vadd.f32 v0, v2  }
0x1b1: {  	v1 =	vmax.f32 v1, $0.0e+00  }
0x1b2: {  	v0 =	vmax.f32 v0, $0.0e+00;
	[tilespmem:s15+$0xB0] =	vst v1  }
0x1b3: {  	[tilespmem:s15+$0xF0] =	vst v0  }
0x1b4: {  	v0 =	vld [tilespmem:$0xC0]  }
0x1b5: {  	v1 =	vld [tilespmem:$0xD0]  }
0x1b6: {  	v62 =	vld [tilespmem:$0xE0]  }
0x1b7: {  	v63 =	vld [tilespmem:$0xF0]  }
0x1b8: {  	p0 =	seq.s32 s8, $0x4E  }
.Ltmp4:
0x1b9: {  	[tilespmem:$0x180] =	vst v0;
	(pc) =	sbr.rel @p0 .LBB2_8-.Ltmp4, $4  }
0x1ba: {  	[tilespmem:$0x190] =	vst v1  }
0x1bb: {  	[tilespmem:$0x1A0] =	vst v62  }
0x1bc: {  	[tilespmem:$0x1B0] =	vst v63  }
0x1bd: {  	[spmem:s3] =	stream.indirect.scatter.add.f32 [tilespmem:s26], [sflag:$0x6], $0x80, s0, s20, $0xb8;
	[tilespmem:$0x1FE00] =	vst v63  }
.Ltmp5:
0x1be: {  	s2 =	sadd.s32 s10, s13;
	(pc) =	sbr.rel .LBB2_2-.Ltmp5, $4  }
0x1bf: {  	s2 =	sshll.u32 s2, $0x4  }
0x1c0: {  	s2 =	sand.u32 $0xFFFFFF0, s2  }
0x1c1: {  	s8 =	sadd.s32 $0x1, s8;
	s2 =	sadd.s32 s1, s2  }
0x1c2: {  	[tilespmem:s19], [sflag:$0x4] =	stream.linear.gather [hbm4b:s2+s4], $0x80, $0x38;
	[tilespmem:$0x1FE00] =	vst v63  }
.LBB2_9:
0x1c3: {  	_ =	sfence.sel $0x180000  }
0x1c4: {  	[bflag:$0x0] =	sbarrier.arrive $0xFFFF  }
0x1c5: {  	_ =	strace $0x90000047  }
0x1c6: {  	s0 =	stileid.u32;
	[bflag:$0x2] =	sbarrier.arrive $0xFFFF  }
0x1c7: {  	p0 =	sne.s32 s0, $0x0;
	s0 =	rddreg [dreg:$0x3]  }
0x1c8: {  	s0 =	sadd.s32 @!p0 $0x100000, s0  }
0x1c9: {  	[sflag:s0] =	ssyncadd.tile.s32 @!p0 $0x1;
	_ =	shalt  }
.Lfunc_end2:
_tile_overlayer_lowered:
.L_overlay_start_2:
0x1ca: {  	(tag) =	ssettag $0x2  }
0x1cb: {  	s0 =	rddreg [dreg:$0x0];
	s2 =	stileid.u32  }
0x1cc: {  	s1 =	rddreg [dreg:$0x1];
	p0 =	sne.s32 s2, $0x0  }
0x1cd: {  	s3 =	rddreg [dreg:$0x2];
	[bflag:$0x3] =	sbarrier.arrive $0xFFFF;
	s2 =	simm.s32 @!p0 $0x1C07  }
0x1ce: {  	[timem:s3], [sflag:s2] =	dma.local @!p0 [hbm:s0], s1  }
0x1cf: {  	s0 =	simm.s32 @!p0 $0x7  }
0x1d0: {  	_ =	swait.ge @!p0 [sflag:s0], s1  }
0x1d1: {  	s1 =	ssub.s32 @!p0 $0x0, s1;
	[sflag:s0] =	ssyncset.done @!p0 $0x0  }
0x1d2: {  	[sflag:s0] =	ssyncadd.s32 @!p0 s1  }
0x1d3: {  	[bflag:$0x3] =	sbarrier.arrive $0xFFFF  }
0x1d4: {  	_ =	shalt  }

</sc_bundles>
